<compile_context>
chip_gen: v7x
topology: tpu7x:2x2x1
jax: 0.10.2.dev20260603
libtpu: 0.0.44.dev20260713+nightly
codegen_flags: <defaults>
</compile_context>

<pallas_src>
import functools

import jax
import jax.numpy as jnp
from jax import lax
from jax.experimental import pallas as pl
from jax.experimental.pallas import tpu as pltpu
from jax.experimental.pallas import tpu_sc as plsc

BV = 256
BO = 512
B_SC = 4
CV = 64


def _sc_pool_body(nv_hbm, x_hbm, o_hbm, nv_v, buf, stage, sems,
                  *, cv, fb, b0, nb, V):
    c = lax.axis_index("c")
    s = lax.axis_index("s")
    wid = s * 2 + c
    f0 = pl.multiple_of(wid * fb, 128)

    pltpu.sync_copy(nv_hbm, nv_v.at[pl.ds(0, nv_hbm.shape[0])])

    def do_sample(j, carry):
        b = b0 + j
        nv = jnp.minimum(nv_v[pl.ds(b, 16)][0], V)
        nchunks = (nv + cv - 1) // cv
        last0 = jnp.maximum(0, ((nv - cv + 7) // 8) * 8)

        def row0(i):
            return pl.multiple_of(jnp.minimum(i * cv, last0), 8)

        def start(i, slot):
            pltpu.make_async_copy(
                x_hbm.at[b, pl.ds(row0(i), cv), pl.ds(f0, fb)],
                buf.at[slot], sems.at[slot]).start()

        start(0, 0)

        def chunk(i, accs):
            slot = lax.rem(i, 2)

            @pl.when(i + 1 < nchunks)
            def _prefetch():
                start(i + 1, 1 - slot)

            pltpu.make_async_copy(
                x_hbm.at[b, pl.ds(0, cv), pl.ds(f0, fb)],
                buf.at[slot], sems.at[slot]).wait()
            nrows = jnp.minimum(cv, nv - row0(i))

            def rowstep(r, accs):
                return tuple(
                    jnp.maximum(a, buf[slot, r, pl.ds(f * 16, 16)])
                    for f, a in enumerate(accs)
                )

            return lax.fori_loop(0, nrows, rowstep, accs)

        neg = jnp.full((16,), -jnp.inf, jnp.float32)
        accs = tuple(neg for _ in range(fb // 16))
        accs = lax.fori_loop(0, nchunks, chunk, accs)
        for f, a in enumerate(accs):
            stage[pl.ds(f * 16, 16)] = a
        pltpu.sync_copy(stage, o_hbm.at[j, pl.ds(f0, fb)])
        return carry

    lax.fori_loop(0, nb, do_sample, 0)


def _pool_body(nv_ref, x_ref, o_ref, *, bv, max_views):
    b = pl.program_id(0)
    j = pl.program_id(1)
    nv = jnp.minimum(nv_ref[b], max_views)
    jmax = (nv + bv - 1) // bv - 1

    @pl.when(j == 0)
    def _init():
        o_ref[...] = jnp.full_like(o_ref, -jnp.inf)

    @pl.when(j <= jmax)
    def _update():
        jb = jnp.minimum(j, jmax)
        row = jb * bv + lax.broadcasted_iota(jnp.int32, (bv, 1), 0)
        blk = jnp.where(row < nv, x_ref[0], -jnp.inf)
        part = blk[0:8]
        for r in range(1, bv // 8):
            part = jnp.maximum(part, blk[r * 8:(r + 1) * 8])
        o_ref[0] = jnp.maximum(o_ref[0], jnp.max(part, axis=0, keepdims=True))


def _linear_body(k_ref, w_ref, bias_ref, o_ref):
    out = lax.dot_general(
        k_ref[...], w_ref[...],
        dimension_numbers=(((1,), (1,)), ((), ())),
        preferred_element_type=jnp.float32,
    )
    o_ref[...] = out + bias_ref[...]


def kernel(batch_size, max_num_views, num_views, x, W, b):
    B, V, D = x.shape
    O = W.shape[0]
    b_tc = B - B_SC
    fb = D // 32
    nv32 = num_views.astype(jnp.int32)

    sc_pool = functools.partial(
        pl.kernel,
        mesh=plsc.VectorSubcoreMesh(core_axis_name="c", subcore_axis_name="s"),
        out_type=jax.ShapeDtypeStruct((B_SC, D), jnp.float32),
        scratch_types=[
            pltpu.VMEM((32,), jnp.int32),
            pltpu.VMEM((2, CV, fb), jnp.float32),
            pltpu.VMEM((fb,), jnp.float32),
            pltpu.SemaphoreType.DMA((2,)),
        ],
    )(functools.partial(_sc_pool_body, cv=CV, fb=fb, b0=b_tc, nb=B_SC, V=V))
    k_sc = sc_pool(nv32, x)

    def x_index(bi, j, nv_ref):
        nv = jnp.minimum(nv_ref[bi], V)
        jmax = (nv + BV - 1) // BV - 1
        return bi, jnp.minimum(j, jmax), 0

    pool = pl.pallas_call(
        functools.partial(_pool_body, bv=BV, max_views=V),
        grid_spec=pltpu.PrefetchScalarGridSpec(
            num_scalar_prefetch=1,
            grid=(b_tc, V // BV),
            in_specs=[pl.BlockSpec((1, BV, D), x_index)],
            out_specs=pl.BlockSpec((1, 1, D), lambda bi, j, nv_ref: (bi, 0, 0)),
        ),
        out_shape=jax.ShapeDtypeStruct((b_tc, 1, D), jnp.float32),
        compiler_params=pltpu.CompilerParams(
            dimension_semantics=("arbitrary", "arbitrary"),
        ),
    )
    k_tc = pool(nv32, x).reshape(b_tc, D)
    k = jnp.concatenate([k_tc, k_sc], axis=0)

    bias = b.reshape(1, O)
    linear = pl.pallas_call(
        _linear_body,
        grid=(O // BO,),
        in_specs=[
            pl.BlockSpec((B, D), lambda o: (0, 0)),
            pl.BlockSpec((BO, D), lambda o: (o, 0)),
            pl.BlockSpec((1, BO), lambda o: (0, o)),
        ],
        out_specs=pl.BlockSpec((B, BO), lambda o: (0, o)),
        out_shape=jax.ShapeDtypeStruct((B, O), jnp.float32),
        compiler_params=pltpu.CompilerParams(
            dimension_semantics=("arbitrary",),
        ),
    )
    logits = linear(k, W, bias)
    return (logits, k)

# --- scband reference (transcript-rebuilt; emitter-appended) ---
"""Pipeline reference for scband-mvcnn-51926154609077 (READ-ONLY COPY).

The authoritative reference and input builder live on the scoring server;
editing this copy changes nothing except your own understanding.
"""

import jax, jax.numpy as jnp
import numpy as np

BATCH = 16
MAX_VIEWS = 512
FEATURE_DIM = 4096
OUTPUT_DIM = 8192


def setup_inputs(seed: int = 0) -> dict:
    key = jax.random.key(seed)
    kx, kv, kw, kb = jax.random.split(key, 4)
    x = jax.random.normal(kx, (BATCH, MAX_VIEWS, FEATURE_DIM), dtype=jnp.float32)
    # ragged view counts: at least 1 valid view per sample
    num_views = jax.random.randint(kv, (BATCH,), 1, MAX_VIEWS + 1, dtype=jnp.int32)
    W = jax.random.normal(kw, (OUTPUT_DIM, FEATURE_DIM), dtype=jnp.float32) * (1.0 / np.sqrt(FEATURE_DIM))
    b = jnp.zeros((OUTPUT_DIM,), dtype=jnp.float32)
    return {"batch_size": BATCH, "max_num_views": MAX_VIEWS, "num_views": num_views, "x": x, "W": W, "b": b}


def reference(batch_size, max_num_views, num_views, x, W, b):
    # Vectorized form of the per-sample python loop:
    # for each i: k[i] = max over the first num_views[i] rows of x[i]
    bounded_views = jnp.minimum(num_views, max_num_views)
    mask = jnp.arange(x.shape[1])[None, :] < bounded_views[:, None]  # [B, V]
    masked = jnp.where(mask[:, :, None], x, -jnp.inf)               # invalid views -> -inf
    k = jnp.max(masked, axis=1)                                      # [B, D] ragged max-pool over views
    logits = k @ W.T + b                                             # nn.Linear classifier
    return (logits, k)

if __name__ == "__main__":
    import jax
    _d = setup_inputs()
    print(jax.jit(kernel)(*tuple(_d.values())))

</pallas_src>

<mosaic_0001>
#map = affine_map<(d0, d1) -> (0)>
#map1 = affine_map<(d0, d1) -> (0, 0, 0)>
#map2 = affine_map<(d0, d1) -> (0, 0)>
module attributes {stable_mosaic.version = 14 : i64} {
  func.func @_sc_pool_body(%arg0: i32, %arg1: i32, %arg2: memref<16xi32, #tpu.memory_space<hbm>>, %arg3: memref<16x512x4096xf32, #tpu.memory_space<hbm>>, %arg4: memref<4x4096xf32, #tpu.memory_space<hbm>>, %arg5: memref<32xi32, #tpu.memory_space<vmem>>, %arg6: memref<2x64x128xf32, #tpu.memory_space<vmem>>, %arg7: memref<128xf32, #tpu.memory_space<vmem>>, %arg8: memref<2x!tpu.dma_semaphore, #tpu.memory_space<semaphore_mem>>) attributes {dimension_semantics = [#tpu.dimension_semantics<core_parallel>, #tpu.dimension_semantics<subcore_parallel>], iteration_bounds = array<i64: 2, 16>, scalar_prefetch = 0 : i64, scratch_operands = 4 : i64, tpu.core_type = #tpu.core_type<sc_vector_subcore>, window_params = [{transform_indices = #map}, {transform_indices = #map1}, {transform_indices = #map2}]} {
    %mul3A = arith.constant 2 : i32
    %mul3A_0 = arith.muli %arg1, %mul3A : i32
    %add3A = arith.addi %mul3A_0, %arg0 : i32
    %mul3A_1 = arith.constant 128 : i32
    %mul3A_2 = arith.muli %add3A, %mul3A_1 : i32
    %multiple_of3A = tpu.assume_multiple %mul3A_2, 128 : i32
    "tpu.region"() ({
      %run_scoped3A = tpu.sem_alloc : memref<!tpu.dma_semaphore, #tpu.memory_space<semaphore_mem>>
      %dma_start3A = arith.constant 0 : i32
      %dma_start3A_8 = tpu.memref_slice %arg5[%dma_start3A] : memref<32xi32, #tpu.memory_space<vmem>> -> memref<16xi32, #tpu.memory_space<vmem>>
      %dma_start3A_9 = arith.constant 0 : i32
      %dma_start3A_10 = tpu.memref_slice %arg5[%dma_start3A_9] : memref<32xi32, #tpu.memory_space<vmem>> -> memref<16xi32, #tpu.memory_space<vmem>>
      tpu.enqueue_dma source(%arg2 : memref<16xi32, #tpu.memory_space<hbm>>) target(%dma_start3A_10 : memref<16xi32, #tpu.memory_space<vmem>>) target_semaphore(%run_scoped3A : memref<!tpu.dma_semaphore, #tpu.memory_space<semaphore_mem>>)
      %dma_wait3A = arith.constant 0 : i32
      %dma_wait3A_11 = tpu.memref_slice %arg5[%dma_wait3A] : memref<32xi32, #tpu.memory_space<vmem>> -> memref<16xi32, #tpu.memory_space<vmem>>
      %dma_wait3A_12 = arith.constant 0 : i32
      %dma_wait3A_13 = tpu.memref_slice %arg5[%dma_wait3A_12] : memref<32xi32, #tpu.memory_space<vmem>> -> memref<16xi32, #tpu.memory_space<vmem>>
      tpu.wait_dma2 semaphore(%run_scoped3A : memref<!tpu.dma_semaphore, #tpu.memory_space<semaphore_mem>>) src(%arg2 : memref<16xi32, #tpu.memory_space<hbm>>) dst(%dma_wait3A_13 : memref<16xi32, #tpu.memory_space<vmem>>)
      tpu.yield
    }) : () -> ()
    %scan3A = arith.constant 0 : i32
    %scan3A_3 = arith.constant 0 : i32
    %scan3A_4 = arith.constant 4 : i32
    %scan3A_5 = arith.addi %scan3A_3, %scan3A_4 : i32
    %scan3A_6 = arith.constant 1 : i32
    scf.for %scan3A_8 = %scan3A_3 to %scan3A_5 step %scan3A_6  : i32 {
      %add3A_9 = arith.constant 12 : i32
      %add3A_10 = arith.addi %add3A_9, %scan3A_8 : i32
      %get3A = arith.index_cast %add3A_10 : i32 to index
      %get3A_11 = tpu.vector_load %arg5[%get3A] {strides = array<i32>} : memref<32xi32, #tpu.memory_space<vmem>>, vector<16xi32>,
      %get3A_12 = vector.shape_cast %get3A_11 : vector<16xi32> to vector<16xi32>
      %slice3A = vector.extract_strided_slice %get3A_12 {offsets = [0], sizes = [1], strides = [1]} : vector<16xi32> to vector<1xi32>
      %squeeze3A = vector.extract %slice3A[0] : i32 from vector<1xi32>
      %min3A = arith.constant 512 : i32
      %min3A_13 = arith.minsi %squeeze3A, %min3A : i32
      %add3A_14 = arith.constant 64 : i32
      %add3A_15 = arith.addi %min3A_13, %add3A_14 : i32
      %sub3A = arith.constant 1 : i32
      %sub3A_16 = arith.subi %add3A_15, %sub3A : i32
      %jit3A = arith.constant 64 : i32
      %div3A = arith.divsi %sub3A_16, %jit3A : i32
      %sign3A = arith.constant 0 : i32
      %sign3A_17 = arith.cmpi sgt, %sub3A_16, %sign3A : i32
      %sign3A_18 = arith.extui %sign3A_17 : i1 to i32
      %sign3A_19 = arith.constant 0 : i32
      %sign3A_20 = arith.cmpi slt, %sub3A_16, %sign3A_19 : i32
      %sign3A_21 = arith.extui %sign3A_20 : i1 to i32
      %sign3A_22 = arith.subi %sign3A_18, %sign3A_21 : i32
      %sign3A_23 = arith.constant 0 : i32
      %sign3A_24 = arith.cmpi sgt, %jit3A, %sign3A_23 : i32
      %sign3A_25 = arith.extui %sign3A_24 : i1 to i32
      %sign3A_26 = arith.constant 0 : i32
      %sign3A_27 = arith.cmpi slt, %jit3A, %sign3A_26 : i32
      %sign3A_28 = arith.extui %sign3A_27 : i1 to i32
      %sign3A_29 = arith.subi %sign3A_25, %sign3A_28 : i32
      %ne3A = arith.cmpi ne, %sign3A_22, %sign3A_29 : i32
      %rem3A = arith.remsi %sub3A_16, %jit3A : i32
      %ne3A_30 = arith.constant 0 : i32
      %ne3A_31 = arith.cmpi ne, %rem3A, %ne3A_30 : i32
      %and3A = arith.andi %ne3A, %ne3A_31 : i1
      %sub3A_32 = arith.constant 1 : i32
      %sub3A_33 = arith.subi %div3A, %sub3A_32 : i32
      %select_n3A = arith.select %and3A, %sub3A_33, %div3A : i32
      %sub3A_34 = arith.constant 64 : i32
      %sub3A_35 = arith.subi %min3A_13, %sub3A_34 : i32
      %add3A_36 = arith.constant 7 : i32
      %add3A_37 = arith.addi %sub3A_35, %add3A_36 : i32
      %jit3A_38 = arith.constant 8 : i32
      %div3A_39 = arith.divsi %add3A_37, %jit3A_38 : i32
      %sign3A_40 = arith.constant 0 : i32
      %sign3A_41 = arith.cmpi sgt, %add3A_37, %sign3A_40 : i32
      %sign3A_42 = arith.extui %sign3A_41 : i1 to i32
      %sign3A_43 = arith.constant 0 : i32
      %sign3A_44 = arith.cmpi slt, %add3A_37, %sign3A_43 : i32
      %sign3A_45 = arith.extui %sign3A_44 : i1 to i32
      %sign3A_46 = arith.subi %sign3A_42, %sign3A_45 : i32
      %sign3A_47 = arith.constant 0 : i32
      %sign3A_48 = arith.cmpi sgt, %jit3A_38, %sign3A_47 : i32
      %sign3A_49 = arith.extui %sign3A_48 : i1 to i32
      %sign3A_50 = arith.constant 0 : i32
      %sign3A_51 = arith.cmpi slt, %jit3A_38, %sign3A_50 : i32
      %sign3A_52 = arith.extui %sign3A_51 : i1 to i32
      %sign3A_53 = arith.subi %sign3A_49, %sign3A_52 : i32
      %ne3A_54 = arith.cmpi ne, %sign3A_46, %sign3A_53 : i32
      %rem3A_55 = arith.remsi %add3A_37, %jit3A_38 : i32
      %ne3A_56 = arith.constant 0 : i32
      %ne3A_57 = arith.cmpi ne, %rem3A_55, %ne3A_56 : i32
      %and3A_58 = arith.andi %ne3A_54, %ne3A_57 : i1
      %sub3A_59 = arith.constant 1 : i32
      %sub3A_60 = arith.subi %div3A_39, %sub3A_59 : i32
      %select_n3A_61 = arith.select %and3A_58, %sub3A_60, %div3A_39 : i32
      %mul3A_62 = arith.constant 8 : i32
      %mul3A_63 = arith.muli %select_n3A_61, %mul3A_62 : i32
      %max3A = arith.constant 0 : i32
      %max3A_64 = arith.maxsi %max3A, %mul3A_63 : i32
      %min3A_65 = arith.constant 0 : i32
      %min3A_66 = arith.minsi %min3A_65, %max3A_64 : i32
      %multiple_of3A_67 = tpu.assume_multiple %min3A_66, 8 : i32
      %dma_start3A = arith.constant 0 : i32
      %dma_start3A_68 = arith.constant 0 : i32
      %dma_start3A_69 = arith.constant 0 : i32
      %dma_start3A_70 = arith.constant 0 : i32
      %dma_start3A_71 = tpu.memref_slice %arg6[%dma_start3A, %dma_start3A_69, %dma_start3A_70] : memref<2x64x128xf32, #tpu.memory_space<vmem>> -> memref<1x64x128xf32, #tpu.memory_space<vmem>>
      %dma_start3A_72 = tpu.memref_squeeze %dma_start3A_71 : memref<1x64x128xf32, #tpu.memory_space<vmem>> -> memref<64x128xf32, #tpu.memory_space<vmem>>
      %dma_start3A_73 = tpu.memref_slice %arg3[%add3A_10, %multiple_of3A_67, %multiple_of3A] : memref<16x512x4096xf32, #tpu.memory_space<hbm>> -> memref<1x64x128xf32, #tpu.memory_space<hbm>>
      %dma_start3A_74 = tpu.memref_squeeze %dma_start3A_73 : memref<1x64x128xf32, #tpu.memory_space<hbm>> -> memref<64x128xf32, #tpu.memory_space<hbm>>
      %dma_start3A_75 = tpu.memref_slice %arg8[%dma_start3A_68] : memref<2x!tpu.dma_semaphore, #tpu.memory_space<semaphore_mem>> -> memref<1x!tpu.dma_semaphore, #tpu.memory_space<semaphore_mem>>
      %dma_start3A_76 = tpu.memref_squeeze %dma_start3A_75 : memref<1x!tpu.dma_semaphore, #tpu.memory_space<semaphore_mem>> -> memref<!tpu.dma_semaphore, #tpu.memory_space<semaphore_mem>>
      %dma_start3A_77 = arith.constant 0 : i32
      %dma_start3A_78 = arith.constant 0 : i32
      %dma_start3A_79 = tpu.memref_slice %arg6[%dma_start3A, %dma_start3A_77, %dma_start3A_78] : memref<2x64x128xf32, #tpu.memory_space<vmem>> -> memref<1x64x128xf32, #tpu.memory_space<vmem>>
      %dma_start3A_80 = tpu.memref_squeeze %dma_start3A_79 : memref<1x64x128xf32, #tpu.memory_space<vmem>> -> memref<64x128xf32, #tpu.memory_space<vmem>>
      %dma_start3A_81 = tpu.memref_slice %arg3[%add3A_10, %multiple_of3A_67, %multiple_of3A] : memref<16x512x4096xf32, #tpu.memory_space<hbm>> -> memref<1x64x128xf32, #tpu.memory_space<hbm>>
      %dma_start3A_82 = tpu.memref_squeeze %dma_start3A_81 : memref<1x64x128xf32, #tpu.memory_space<hbm>> -> memref<64x128xf32, #tpu.memory_space<hbm>>
      tpu.enqueue_dma source(%dma_start3A_82 : memref<64x128xf32, #tpu.memory_space<hbm>>) target(%dma_start3A_80 : memref<64x128xf32, #tpu.memory_space<vmem>>) target_semaphore(%dma_start3A_76 : memref<!tpu.dma_semaphore, #tpu.memory_space<semaphore_mem>>)
      %broadcast_in_dim3A = arith.constant 0xFF800000 : f32
      %broadcast_in_dim3A_83 = vector.broadcast %broadcast_in_dim3A : f32 to vector<16xf32>
      %while3A = arith.constant 0 : i32
      %while3A_84 = arith.subi %select_n3A, %while3A : i32
      %while3A_85 = arith.addi %while3A, %while3A_84 : i32
      %while3A_86 = arith.constant 1 : i32
      %while3A_87 = arith.divsi %while3A_84, %while3A_86 : i32
      %while3A_88 = arith.muli %while3A_87, %while3A_86 : i32
      %while3A_89 = arith.addi %while3A, %while3A_88 : i32
      %while3A_90 = arith.constant 1 : i32
      %while3A_91:8 = scf.for %while3A_125 = %while3A to %while3A_89 step %while3A_90 iter_args(%while3A_126 = %broadcast_in_dim3A_83, %while3A_127 = %broadcast_in_dim3A_83, %while3A_128 = %broadcast_in_dim3A_83, %while3A_129 = %broadcast_in_dim3A_83, %while3A_130 = %broadcast_in_dim3A_83, %while3A_131 = %broadcast_in_dim3A_83, %while3A_132 = %broadcast_in_dim3A_83, %while3A_133 = %broadcast_in_dim3A_83) -> (vector<16xf32>, vector<16xf32>, vector<16xf32>, vector<16xf32>, vector<16xf32>, vector<16xf32>, vector<16xf32>, vector<16xf32>)  : i32 {
        %rem3A_134 = arith.constant 2 : i32
        %rem3A_135 = arith.remsi %while3A_125, %rem3A_134 : i32
        %add3A_136 = arith.constant 1 : i32
        %add3A_137 = arith.addi %while3A_125, %add3A_136 : i32
        %lt3A = arith.cmpi slt, %add3A_137, %select_n3A : i32
        %convert_element_type3A = arith.extui %lt3A : i1 to i32
        %cond3A = arith.constant 0 : i32
        %cond3A_138 = arith.cmpi ne, %convert_element_type3A, %cond3A : i32
        scf.if %cond3A_138 {
          %add3A_172 = arith.constant 1 : i32
          %add3A_173 = arith.addi %while3A_125, %add3A_172 : i32
          %sub3A_174 = arith.constant 1 : i32
          %sub3A_175 = arith.subi %sub3A_174, %rem3A_135 : i32
          %mul3A_176 = arith.constant 64 : i32
          %mul3A_177 = arith.muli %add3A_173, %mul3A_176 : i32
          %min3A_178 = arith.minsi %mul3A_177, %max3A_64 : i32
          %multiple_of3A_179 = tpu.assume_multiple %min3A_178, 8 : i32
          %dma_start3A_180 = arith.constant 0 : i32
          %dma_start3A_181 = arith.constant 0 : i32
          %dma_start3A_182 = tpu.memref_slice %arg6[%sub3A_175, %dma_start3A_180, %dma_start3A_181] : memref<2x64x128xf32, #tpu.memory_space<vmem>> -> memref<1x64x128xf32, #tpu.memory_space<vmem>>
          %dma_start3A_183 = tpu.memref_squeeze %dma_start3A_182 : memref<1x64x128xf32, #tpu.memory_space<vmem>> -> memref<64x128xf32, #tpu.memory_space<vmem>>
          %dma_start3A_184 = tpu.memref_slice %arg3[%add3A_10, %multiple_of3A_179, %multiple_of3A] : memref<16x512x4096xf32, #tpu.memory_space<hbm>> -> memref<1x64x128xf32, #tpu.memory_space<hbm>>
          %dma_start3A_185 = tpu.memref_squeeze %dma_start3A_184 : memref<1x64x128xf32, #tpu.memory_space<hbm>> -> memref<64x128xf32, #tpu.memory_space<hbm>>
          %dma_start3A_186 = tpu.memref_slice %arg8[%sub3A_175] : memref<2x!tpu.dma_semaphore, #tpu.memory_space<semaphore_mem>> -> memref<1x!tpu.dma_semaphore, #tpu.memory_space<semaphore_mem>>
          %dma_start3A_187 = tpu.memref_squeeze %dma_start3A_186 : memref<1x!tpu.dma_semaphore, #tpu.memory_space<semaphore_mem>> -> memref<!tpu.dma_semaphore, #tpu.memory_space<semaphore_mem>>
          %dma_start3A_188 = arith.constant 0 : i32
          %dma_start3A_189 = arith.constant 0 : i32
          %dma_start3A_190 = tpu.memref_slice %arg6[%sub3A_175, %dma_start3A_188, %dma_start3A_189] : memref<2x64x128xf32, #tpu.memory_space<vmem>> -> memref<1x64x128xf32, #tpu.memory_space<vmem>>
          %dma_start3A_191 = tpu.memref_squeeze %dma_start3A_190 : memref<1x64x128xf32, #tpu.memory_space<vmem>> -> memref<64x128xf32, #tpu.memory_space<vmem>>
          %dma_start3A_192 = tpu.memref_slice %arg3[%add3A_10, %multiple_of3A_179, %multiple_of3A] : memref<16x512x4096xf32, #tpu.memory_space<hbm>> -> memref<1x64x128xf32, #tpu.memory_space<hbm>>
          %dma_start3A_193 = tpu.memref_squeeze %dma_start3A_192 : memref<1x64x128xf32, #tpu.memory_space<hbm>> -> memref<64x128xf32, #tpu.memory_space<hbm>>
          tpu.enqueue_dma source(%dma_start3A_193 : memref<64x128xf32, #tpu.memory_space<hbm>>) target(%dma_start3A_191 : memref<64x128xf32, #tpu.memory_space<vmem>>) target_semaphore(%dma_start3A_187 : memref<!tpu.dma_semaphore, #tpu.memory_space<semaphore_mem>>)
        } else {
        }
        %dma_wait3A = arith.constant 0 : i32
        %dma_wait3A_139 = arith.constant 0 : i32
        %dma_wait3A_140 = tpu.memref_slice %arg6[%rem3A_135, %dma_wait3A, %dma_wait3A_139] : memref<2x64x128xf32, #tpu.memory_space<vmem>> -> memref<1x64x128xf32, #tpu.memory_space<vmem>>
        %dma_wait3A_141 = tpu.memref_squeeze %dma_wait3A_140 : memref<1x64x128xf32, #tpu.memory_space<vmem>> -> memref<64x128xf32, #tpu.memory_space<vmem>>
        %dma_wait3A_142 = arith.constant 0 : i32
        %dma_wait3A_143 = tpu.memref_slice %arg3[%add3A_10, %dma_wait3A_142, %multiple_of3A] : memref<16x512x4096xf32, #tpu.memory_space<hbm>> -> memref<1x64x128xf32, #tpu.memory_space<hbm>>
        %dma_wait3A_144 = tpu.memref_squeeze %dma_wait3A_143 : memref<1x64x128xf32, #tpu.memory_space<hbm>> -> memref<64x128xf32, #tpu.memory_space<hbm>>
        %dma_wait3A_145 = tpu.memref_slice %arg8[%rem3A_135] : memref<2x!tpu.dma_semaphore, #tpu.memory_space<semaphore_mem>> -> memref<1x!tpu.dma_semaphore, #tpu.memory_space<semaphore_mem>>
        %dma_wait3A_146 = tpu.memref_squeeze %dma_wait3A_145 : memref<1x!tpu.dma_semaphore, #tpu.memory_space<semaphore_mem>> -> memref<!tpu.dma_semaphore, #tpu.memory_space<semaphore_mem>>
        %dma_wait3A_147 = arith.constant 0 : i32
        %dma_wait3A_148 = arith.constant 0 : i32
        %dma_wait3A_149 = tpu.memref_slice %arg6[%rem3A_135, %dma_wait3A_147, %dma_wait3A_148] : memref<2x64x128xf32, #tpu.memory_space<vmem>> -> memref<1x64x128xf32, #tpu.memory_space<vmem>>
        %dma_wait3A_150 = tpu.memref_squeeze %dma_wait3A_149 : memref<1x64x128xf32, #tpu.memory_space<vmem>> -> memref<64x128xf32, #tpu.memory_space<vmem>>
        %dma_wait3A_151 = arith.constant 0 : i32
        %dma_wait3A_152 = tpu.memref_slice %arg3[%add3A_10, %dma_wait3A_151, %multiple_of3A] : memref<16x512x4096xf32, #tpu.memory_space<hbm>> -> memref<1x64x128xf32, #tpu.memory_space<hbm>>
        %dma_wait3A_153 = tpu.memref_squeeze %dma_wait3A_152 : memref<1x64x128xf32, #tpu.memory_space<hbm>> -> memref<64x128xf32, #tpu.memory_space<hbm>>
        tpu.wait_dma2 semaphore(%dma_wait3A_146 : memref<!tpu.dma_semaphore, #tpu.memory_space<semaphore_mem>>) src(%dma_wait3A_153 : memref<64x128xf32, #tpu.memory_space<hbm>>) dst(%dma_wait3A_150 : memref<64x128xf32, #tpu.memory_space<vmem>>)
        %mul3A_154 = arith.constant 64 : i32
        %mul3A_155 = arith.muli %while3A_125, %mul3A_154 : i32
        %min3A_156 = arith.minsi %mul3A_155, %max3A_64 : i32
        %multiple_of3A_157 = tpu.assume_multiple %min3A_156, 8 : i32
        %sub3A_158 = arith.subi %min3A_13, %multiple_of3A_157 : i32
        %min3A_159 = arith.constant 64 : i32
        %min3A_160 = arith.minsi %min3A_159, %sub3A_158 : i32
        %while3A_161 = arith.constant 0 : i32
        %while3A_162 = arith.subi %min3A_160, %while3A_161 : i32
        %while3A_163 = arith.addi %while3A_161, %while3A_162 : i32
        %while3A_164 = arith.constant 1 : i32
        %while3A_165 = arith.divsi %while3A_162, %while3A_164 : i32
        %while3A_166 = arith.muli %while3A_165, %while3A_164 : i32
        %while3A_167 = arith.addi %while3A_161, %while3A_166 : i32
        %while3A_168 = arith.constant 1 : i32
        %while3A_169:8 = scf.for %while3A_172 = %while3A_161 to %while3A_167 step %while3A_168 iter_args(%while3A_173 = %while3A_126, %while3A_174 = %while3A_127, %while3A_175 = %while3A_128, %while3A_176 = %while3A_129, %while3A_177 = %while3A_130, %while3A_178 = %while3A_131, %while3A_179 = %while3A_132, %while3A_180 = %while3A_133) -> (vector<16xf32>, vector<16xf32>, vector<16xf32>, vector<16xf32>, vector<16xf32>, vector<16xf32>, vector<16xf32>, vector<16xf32>)  : i32 {
          %get3A_181 = arith.index_cast %rem3A_135 : i32 to index
          %get3A_182 = arith.index_cast %while3A_172 : i32 to index
          %get3A_183 = arith.constant 0 : index
          %get3A_184 = tpu.vector_load %arg6[%get3A_181, %get3A_182, %get3A_183] {strides = array<i32>} : memref<2x64x128xf32, #tpu.memory_space<vmem>>, vector<1x1x16xf32>,
          %get3A_185 = vector.shape_cast %get3A_184 : vector<1x1x16xf32> to vector<16xf32>
          %max3A_186 = arith.maximumf %while3A_173, %get3A_185 : vector<16xf32>
          %get3A_187 = arith.index_cast %rem3A_135 : i32 to index
          %get3A_188 = arith.index_cast %while3A_172 : i32 to index
          %get3A_189 = arith.constant 16 : index
          %get3A_190 = tpu.vector_load %arg6[%get3A_187, %get3A_188, %get3A_189] {strides = array<i32>} : memref<2x64x128xf32, #tpu.memory_space<vmem>>, vector<1x1x16xf32>,
          %get3A_191 = vector.shape_cast %get3A_190 : vector<1x1x16xf32> to vector<16xf32>
          %max3A_192 = arith.maximumf %while3A_174, %get3A_191 : vector<16xf32>
          %get3A_193 = arith.index_cast %rem3A_135 : i32 to index
          %get3A_194 = arith.index_cast %while3A_172 : i32 to index
          %get3A_195 = arith.constant 32 : index
          %get3A_196 = tpu.vector_load %arg6[%get3A_193, %get3A_194, %get3A_195] {strides = array<i32>} : memref<2x64x128xf32, #tpu.memory_space<vmem>>, vector<1x1x16xf32>,
          %get3A_197 = vector.shape_cast %get3A_196 : vector<1x1x16xf32> to vector<16xf32>
          %max3A_198 = arith.maximumf %while3A_175, %get3A_197 : vector<16xf32>
          %get3A_199 = arith.index_cast %rem3A_135 : i32 to index
          %get3A_200 = arith.index_cast %while3A_172 : i32 to index
          %get3A_201 = arith.constant 48 : index
          %get3A_202 = tpu.vector_load %arg6[%get3A_199, %get3A_200, %get3A_201] {strides = array<i32>} : memref<2x64x128xf32, #tpu.memory_space<vmem>>, vector<1x1x16xf32>,
          %get3A_203 = vector.shape_cast %get3A_202 : vector<1x1x16xf32> to vector<16xf32>
          %max3A_204 = arith.maximumf %while3A_176, %get3A_203 : vector<16xf32>
          %get3A_205 = arith.index_cast %rem3A_135 : i32 to index
          %get3A_206 = arith.index_cast %while3A_172 : i32 to index
          %get3A_207 = arith.constant 64 : index
          %get3A_208 = tpu.vector_load %arg6[%get3A_205, %get3A_206, %get3A_207] {strides = array<i32>} : memref<2x64x128xf32, #tpu.memory_space<vmem>>, vector<1x1x16xf32>,
          %get3A_209 = vector.shape_cast %get3A_208 : vector<1x1x16xf32> to vector<16xf32>
          %max3A_210 = arith.maximumf %while3A_177, %get3A_209 : vector<16xf32>
          %get3A_211 = arith.index_cast %rem3A_135 : i32 to index
          %get3A_212 = arith.index_cast %while3A_172 : i32 to index
          %get3A_213 = arith.constant 80 : index
          %get3A_214 = tpu.vector_load %arg6[%get3A_211, %get3A_212, %get3A_213] {strides = array<i32>} : memref<2x64x128xf32, #tpu.memory_space<vmem>>, vector<1x1x16xf32>,
          %get3A_215 = vector.shape_cast %get3A_214 : vector<1x1x16xf32> to vector<16xf32>
          %max3A_216 = arith.maximumf %while3A_178, %get3A_215 : vector<16xf32>
          %get3A_217 = arith.index_cast %rem3A_135 : i32 to index
          %get3A_218 = arith.index_cast %while3A_172 : i32 to index
          %get3A_219 = arith.constant 96 : index
          %get3A_220 = tpu.vector_load %arg6[%get3A_217, %get3A_218, %get3A_219] {strides = array<i32>} : memref<2x64x128xf32, #tpu.memory_space<vmem>>, vector<1x1x16xf32>,
          %get3A_221 = vector.shape_cast %get3A_220 : vector<1x1x16xf32> to vector<16xf32>
          %max3A_222 = arith.maximumf %while3A_179, %get3A_221 : vector<16xf32>
          %get3A_223 = arith.index_cast %rem3A_135 : i32 to index
          %get3A_224 = arith.index_cast %while3A_172 : i32 to index
          %get3A_225 = arith.constant 112 : index
          %get3A_226 = tpu.vector_load %arg6[%get3A_223, %get3A_224, %get3A_225] {strides = array<i32>} : memref<2x64x128xf32, #tpu.memory_space<vmem>>, vector<1x1x16xf32>,
          %get3A_227 = vector.shape_cast %get3A_226 : vector<1x1x16xf32> to vector<16xf32>
          %max3A_228 = arith.maximumf %while3A_180, %get3A_227 : vector<16xf32>
          scf.yield %max3A_186, %max3A_192, %max3A_198, %max3A_204, %max3A_210, %max3A_216, %max3A_222, %max3A_228 : vector<16xf32>, vector<16xf32>, vector<16xf32>, vector<16xf32>, vector<16xf32>, vector<16xf32>, vector<16xf32>, vector<16xf32>
        }
        %while3A_170 = arith.constant 1 : i32
        %while3A_171:8 = scf.for %while3A_172 = %while3A_167 to %while3A_163 step %while3A_170 iter_args(%while3A_173 = %while3A_169#0, %while3A_174 = %while3A_169#1, %while3A_175 = %while3A_169#2, %while3A_176 = %while3A_169#3, %while3A_177 = %while3A_169#4, %while3A_178 = %while3A_169#5, %while3A_179 = %while3A_169#6, %while3A_180 = %while3A_169#7) -> (vector<16xf32>, vector<16xf32>, vector<16xf32>, vector<16xf32>, vector<16xf32>, vector<16xf32>, vector<16xf32>, vector<16xf32>)  : i32 {
          %get3A_181 = arith.index_cast %rem3A_135 : i32 to index
          %get3A_182 = arith.index_cast %while3A_172 : i32 to index
          %get3A_183 = arith.constant 0 : index
          %get3A_184 = tpu.vector_load %arg6[%get3A_181, %get3A_182, %get3A_183] {strides = array<i32>} : memref<2x64x128xf32, #tpu.memory_space<vmem>>, vector<1x1x16xf32>,
          %get3A_185 = vector.shape_cast %get3A_184 : vector<1x1x16xf32> to vector<16xf32>
          %max3A_186 = arith.maximumf %while3A_173, %get3A_185 : vector<16xf32>
          %get3A_187 = arith.index_cast %rem3A_135 : i32 to index
          %get3A_188 = arith.index_cast %while3A_172 : i32 to index
          %get3A_189 = arith.constant 16 : index
          %get3A_190 = tpu.vector_load %arg6[%get3A_187, %get3A_188, %get3A_189] {strides = array<i32>} : memref<2x64x128xf32, #tpu.memory_space<vmem>>, vector<1x1x16xf32>,
          %get3A_191 = vector.shape_cast %get3A_190 : vector<1x1x16xf32> to vector<16xf32>
          %max3A_192 = arith.maximumf %while3A_174, %get3A_191 : vector<16xf32>
          %get3A_193 = arith.index_cast %rem3A_135 : i32 to index
          %get3A_194 = arith.index_cast %while3A_172 : i32 to index
          %get3A_195 = arith.constant 32 : index
          %get3A_196 = tpu.vector_load %arg6[%get3A_193, %get3A_194, %get3A_195] {strides = array<i32>} : memref<2x64x128xf32, #tpu.memory_space<vmem>>, vector<1x1x16xf32>,
          %get3A_197 = vector.shape_cast %get3A_196 : vector<1x1x16xf32> to vector<16xf32>
          %max3A_198 = arith.maximumf %while3A_175, %get3A_197 : vector<16xf32>
          %get3A_199 = arith.index_cast %rem3A_135 : i32 to index
          %get3A_200 = arith.index_cast %while3A_172 : i32 to index
          %get3A_201 = arith.constant 48 : index
          %get3A_202 = tpu.vector_load %arg6[%get3A_199, %get3A_200, %get3A_201] {strides = array<i32>} : memref<2x64x128xf32, #tpu.memory_space<vmem>>, vector<1x1x16xf32>,
          %get3A_203 = vector.shape_cast %get3A_202 : vector<1x1x16xf32> to vector<16xf32>
          %max3A_204 = arith.maximumf %while3A_176, %get3A_203 : vector<16xf32>
          %get3A_205 = arith.index_cast %rem3A_135 : i32 to index
          %get3A_206 = arith.index_cast %while3A_172 : i32 to index
          %get3A_207 = arith.constant 64 : index
          %get3A_208 = tpu.vector_load %arg6[%get3A_205, %get3A_206, %get3A_207] {strides = array<i32>} : memref<2x64x128xf32, #tpu.memory_space<vmem>>, vector<1x1x16xf32>,
          %get3A_209 = vector.shape_cast %get3A_208 : vector<1x1x16xf32> to vector<16xf32>
          %max3A_210 = arith.maximumf %while3A_177, %get3A_209 : vector<16xf32>
          %get3A_211 = arith.index_cast %rem3A_135 : i32 to index
          %get3A_212 = arith.index_cast %while3A_172 : i32 to index
          %get3A_213 = arith.constant 80 : index
          %get3A_214 = tpu.vector_load %arg6[%get3A_211, %get3A_212, %get3A_213] {strides = array<i32>} : memref<2x64x128xf32, #tpu.memory_space<vmem>>, vector<1x1x16xf32>,
          %get3A_215 = vector.shape_cast %get3A_214 : vector<1x1x16xf32> to vector<16xf32>
          %max3A_216 = arith.maximumf %while3A_178, %get3A_215 : vector<16xf32>
          %get3A_217 = arith.index_cast %rem3A_135 : i32 to index
          %get3A_218 = arith.index_cast %while3A_172 : i32 to index
          %get3A_219 = arith.constant 96 : index
          %get3A_220 = tpu.vector_load %arg6[%get3A_217, %get3A_218, %get3A_219] {strides = array<i32>} : memref<2x64x128xf32, #tpu.memory_space<vmem>>, vector<1x1x16xf32>,
          %get3A_221 = vector.shape_cast %get3A_220 : vector<1x1x16xf32> to vector<16xf32>
          %max3A_222 = arith.maximumf %while3A_179, %get3A_221 : vector<16xf32>
          %get3A_223 = arith.index_cast %rem3A_135 : i32 to index
          %get3A_224 = arith.index_cast %while3A_172 : i32 to index
          %get3A_225 = arith.constant 112 : index
          %get3A_226 = tpu.vector_load %arg6[%get3A_223, %get3A_224, %get3A_225] {strides = array<i32>} : memref<2x64x128xf32, #tpu.memory_space<vmem>>, vector<1x1x16xf32>,
          %get3A_227 = vector.shape_cast %get3A_226 : vector<1x1x16xf32> to vector<16xf32>
          %max3A_228 = arith.maximumf %while3A_180, %get3A_227 : vector<16xf32>
          scf.yield %max3A_186, %max3A_192, %max3A_198, %max3A_204, %max3A_210, %max3A_216, %max3A_222, %max3A_228 : vector<16xf32>, vector<16xf32>, vector<16xf32>, vector<16xf32>, vector<16xf32>, vector<16xf32>, vector<16xf32>, vector<16xf32>
        }
        scf.yield %while3A_171#0, %while3A_171#1, %while3A_171#2, %while3A_171#3, %while3A_171#4, %while3A_171#5, %while3A_171#6, %while3A_171#7 : vector<16xf32>, vector<16xf32>, vector<16xf32>, vector<16xf32>, vector<16xf32>, vector<16xf32>, vector<16xf32>, vector<16xf32>
      }
      %while3A_92 = arith.constant 1 : i32
      %while3A_93:8 = scf.for %while3A_125 = %while3A_89 to %while3A_85 step %while3A_92 iter_args(%while3A_126 = %while3A_91#0, %while3A_127 = %while3A_91#1, %while3A_128 = %while3A_91#2, %while3A_129 = %while3A_91#3, %while3A_130 = %while3A_91#4, %while3A_131 = %while3A_91#5, %while3A_132 = %while3A_91#6, %while3A_133 = %while3A_91#7) -> (vector<16xf32>, vector<16xf32>, vector<16xf32>, vector<16xf32>, vector<16xf32>, vector<16xf32>, vector<16xf32>, vector<16xf32>)  : i32 {
        %rem3A_134 = arith.constant 2 : i32
        %rem3A_135 = arith.remsi %while3A_125, %rem3A_134 : i32
        %add3A_136 = arith.constant 1 : i32
        %add3A_137 = arith.addi %while3A_125, %add3A_136 : i32
        %lt3A = arith.cmpi slt, %add3A_137, %select_n3A : i32
        %convert_element_type3A = arith.extui %lt3A : i1 to i32
        %cond3A = arith.constant 0 : i32
        %cond3A_138 = arith.cmpi ne, %convert_element_type3A, %cond3A : i32
        scf.if %cond3A_138 {
          %add3A_172 = arith.constant 1 : i32
          %add3A_173 = arith.addi %while3A_125, %add3A_172 : i32
          %sub3A_174 = arith.constant 1 : i32
          %sub3A_175 = arith.subi %sub3A_174, %rem3A_135 : i32
          %mul3A_176 = arith.constant 64 : i32
          %mul3A_177 = arith.muli %add3A_173, %mul3A_176 : i32
          %min3A_178 = arith.minsi %mul3A_177, %max3A_64 : i32
          %multiple_of3A_179 = tpu.assume_multiple %min3A_178, 8 : i32
          %dma_start3A_180 = arith.constant 0 : i32
          %dma_start3A_181 = arith.constant 0 : i32
          %dma_start3A_182 = tpu.memref_slice %arg6[%sub3A_175, %dma_start3A_180, %dma_start3A_181] : memref<2x64x128xf32, #tpu.memory_space<vmem>> -> memref<1x64x128xf32, #tpu.memory_space<vmem>>
          %dma_start3A_183 = tpu.memref_squeeze %dma_start3A_182 : memref<1x64x128xf32, #tpu.memory_space<vmem>> -> memref<64x128xf32, #tpu.memory_space<vmem>>
          %dma_start3A_184 = tpu.memref_slice %arg3[%add3A_10, %multiple_of3A_179, %multiple_of3A] : memref<16x512x4096xf32, #tpu.memory_space<hbm>> -> memref<1x64x128xf32, #tpu.memory_space<hbm>>
          %dma_start3A_185 = tpu.memref_squeeze %dma_start3A_184 : memref<1x64x128xf32, #tpu.memory_space<hbm>> -> memref<64x128xf32, #tpu.memory_space<hbm>>
          %dma_start3A_186 = tpu.memref_slice %arg8[%sub3A_175] : memref<2x!tpu.dma_semaphore, #tpu.memory_space<semaphore_mem>> -> memref<1x!tpu.dma_semaphore, #tpu.memory_space<semaphore_mem>>
          %dma_start3A_187 = tpu.memref_squeeze %dma_start3A_186 : memref<1x!tpu.dma_semaphore, #tpu.memory_space<semaphore_mem>> -> memref<!tpu.dma_semaphore, #tpu.memory_space<semaphore_mem>>
          %dma_start3A_188 = arith.constant 0 : i32
          %dma_start3A_189 = arith.constant 0 : i32
          %dma_start3A_190 = tpu.memref_slice %arg6[%sub3A_175, %dma_start3A_188, %dma_start3A_189] : memref<2x64x128xf32, #tpu.memory_space<vmem>> -> memref<1x64x128xf32, #tpu.memory_space<vmem>>
          %dma_start3A_191 = tpu.memref_squeeze %dma_start3A_190 : memref<1x64x128xf32, #tpu.memory_space<vmem>> -> memref<64x128xf32, #tpu.memory_space<vmem>>
          %dma_start3A_192 = tpu.memref_slice %arg3[%add3A_10, %multiple_of3A_179, %multiple_of3A] : memref<16x512x4096xf32, #tpu.memory_space<hbm>> -> memref<1x64x128xf32, #tpu.memory_space<hbm>>
          %dma_start3A_193 = tpu.memref_squeeze %dma_start3A_192 : memref<1x64x128xf32, #tpu.memory_space<hbm>> -> memref<64x128xf32, #tpu.memory_space<hbm>>
          tpu.enqueue_dma source(%dma_start3A_193 : memref<64x128xf32, #tpu.memory_space<hbm>>) target(%dma_start3A_191 : memref<64x128xf32, #tpu.memory_space<vmem>>) target_semaphore(%dma_start3A_187 : memref<!tpu.dma_semaphore, #tpu.memory_space<semaphore_mem>>)
        } else {
        }
        %dma_wait3A = arith.constant 0 : i32
        %dma_wait3A_139 = arith.constant 0 : i32
        %dma_wait3A_140 = tpu.memref_slice %arg6[%rem3A_135, %dma_wait3A, %dma_wait3A_139] : memref<2x64x128xf32, #tpu.memory_space<vmem>> -> memref<1x64x128xf32, #tpu.memory_space<vmem>>
        %dma_wait3A_141 = tpu.memref_squeeze %dma_wait3A_140 : memref<1x64x128xf32, #tpu.memory_space<vmem>> -> memref<64x128xf32, #tpu.memory_space<vmem>>
        %dma_wait3A_142 = arith.constant 0 : i32
        %dma_wait3A_143 = tpu.memref_slice %arg3[%add3A_10, %dma_wait3A_142, %multiple_of3A] : memref<16x512x4096xf32, #tpu.memory_space<hbm>> -> memref<1x64x128xf32, #tpu.memory_space<hbm>>
        %dma_wait3A_144 = tpu.memref_squeeze %dma_wait3A_143 : memref<1x64x128xf32, #tpu.memory_space<hbm>> -> memref<64x128xf32, #tpu.memory_space<hbm>>
        %dma_wait3A_145 = tpu.memref_slice %arg8[%rem3A_135] : memref<2x!tpu.dma_semaphore, #tpu.memory_space<semaphore_mem>> -> memref<1x!tpu.dma_semaphore, #tpu.memory_space<semaphore_mem>>
        %dma_wait3A_146 = tpu.memref_squeeze %dma_wait3A_145 : memref<1x!tpu.dma_semaphore, #tpu.memory_space<semaphore_mem>> -> memref<!tpu.dma_semaphore, #tpu.memory_space<semaphore_mem>>
        %dma_wait3A_147 = arith.constant 0 : i32
        %dma_wait3A_148 = arith.constant 0 : i32
        %dma_wait3A_149 = tpu.memref_slice %arg6[%rem3A_135, %dma_wait3A_147, %dma_wait3A_148] : memref<2x64x128xf32, #tpu.memory_space<vmem>> -> memref<1x64x128xf32, #tpu.memory_space<vmem>>
        %dma_wait3A_150 = tpu.memref_squeeze %dma_wait3A_149 : memref<1x64x128xf32, #tpu.memory_space<vmem>> -> memref<64x128xf32, #tpu.memory_space<vmem>>
        %dma_wait3A_151 = arith.constant 0 : i32
        %dma_wait3A_152 = tpu.memref_slice %arg3[%add3A_10, %dma_wait3A_151, %multiple_of3A] : memref<16x512x4096xf32, #tpu.memory_space<hbm>> -> memref<1x64x128xf32, #tpu.memory_space<hbm>>
        %dma_wait3A_153 = tpu.memref_squeeze %dma_wait3A_152 : memref<1x64x128xf32, #tpu.memory_space<hbm>> -> memref<64x128xf32, #tpu.memory_space<hbm>>
        tpu.wait_dma2 semaphore(%dma_wait3A_146 : memref<!tpu.dma_semaphore, #tpu.memory_space<semaphore_mem>>) src(%dma_wait3A_153 : memref<64x128xf32, #tpu.memory_space<hbm>>) dst(%dma_wait3A_150 : memref<64x128xf32, #tpu.memory_space<vmem>>)
        %mul3A_154 = arith.constant 64 : i32
        %mul3A_155 = arith.muli %while3A_125, %mul3A_154 : i32
        %min3A_156 = arith.minsi %mul3A_155, %max3A_64 : i32
        %multiple_of3A_157 = tpu.assume_multiple %min3A_156, 8 : i32
        %sub3A_158 = arith.subi %min3A_13, %multiple_of3A_157 : i32
        %min3A_159 = arith.constant 64 : i32
        %min3A_160 = arith.minsi %min3A_159, %sub3A_158 : i32
        %while3A_161 = arith.constant 0 : i32
        %while3A_162 = arith.subi %min3A_160, %while3A_161 : i32
        %while3A_163 = arith.addi %while3A_161, %while3A_162 : i32
        %while3A_164 = arith.constant 1 : i32
        %while3A_165 = arith.divsi %while3A_162, %while3A_164 : i32
        %while3A_166 = arith.muli %while3A_165, %while3A_164 : i32
        %while3A_167 = arith.addi %while3A_161, %while3A_166 : i32
        %while3A_168 = arith.constant 1 : i32
        %while3A_169:8 = scf.for %while3A_172 = %while3A_161 to %while3A_167 step %while3A_168 iter_args(%while3A_173 = %while3A_126, %while3A_174 = %while3A_127, %while3A_175 = %while3A_128, %while3A_176 = %while3A_129, %while3A_177 = %while3A_130, %while3A_178 = %while3A_131, %while3A_179 = %while3A_132, %while3A_180 = %while3A_133) -> (vector<16xf32>, vector<16xf32>, vector<16xf32>, vector<16xf32>, vector<16xf32>, vector<16xf32>, vector<16xf32>, vector<16xf32>)  : i32 {
          %get3A_181 = arith.index_cast %rem3A_135 : i32 to index
          %get3A_182 = arith.index_cast %while3A_172 : i32 to index
          %get3A_183 = arith.constant 0 : index
          %get3A_184 = tpu.vector_load %arg6[%get3A_181, %get3A_182, %get3A_183] {strides = array<i32>} : memref<2x64x128xf32, #tpu.memory_space<vmem>>, vector<1x1x16xf32>,
          %get3A_185 = vector.shape_cast %get3A_184 : vector<1x1x16xf32> to vector<16xf32>
          %max3A_186 = arith.maximumf %while3A_173, %get3A_185 : vector<16xf32>
          %get3A_187 = arith.index_cast %rem3A_135 : i32 to index
          %get3A_188 = arith.index_cast %while3A_172 : i32 to index
          %get3A_189 = arith.constant 16 : index
          %get3A_190 = tpu.vector_load %arg6[%get3A_187, %get3A_188, %get3A_189] {strides = array<i32>} : memref<2x64x128xf32, #tpu.memory_space<vmem>>, vector<1x1x16xf32>,
          %get3A_191 = vector.shape_cast %get3A_190 : vector<1x1x16xf32> to vector<16xf32>
          %max3A_192 = arith.maximumf %while3A_174, %get3A_191 : vector<16xf32>
          %get3A_193 = arith.index_cast %rem3A_135 : i32 to index
          %get3A_194 = arith.index_cast %while3A_172 : i32 to index
          %get3A_195 = arith.constant 32 : index
          %get3A_196 = tpu.vector_load %arg6[%get3A_193, %get3A_194, %get3A_195] {strides = array<i32>} : memref<2x64x128xf32, #tpu.memory_space<vmem>>, vector<1x1x16xf32>,
          %get3A_197 = vector.shape_cast %get3A_196 : vector<1x1x16xf32> to vector<16xf32>
          %max3A_198 = arith.maximumf %while3A_175, %get3A_197 : vector<16xf32>
          %get3A_199 = arith.index_cast %rem3A_135 : i32 to index
          %get3A_200 = arith.index_cast %while3A_172 : i32 to index
          %get3A_201 = arith.constant 48 : index
          %get3A_202 = tpu.vector_load %arg6[%get3A_199, %get3A_200, %get3A_201] {strides = array<i32>} : memref<2x64x128xf32, #tpu.memory_space<vmem>>, vector<1x1x16xf32>,
          %get3A_203 = vector.shape_cast %get3A_202 : vector<1x1x16xf32> to vector<16xf32>
          %max3A_204 = arith.maximumf %while3A_176, %get3A_203 : vector<16xf32>
          %get3A_205 = arith.index_cast %rem3A_135 : i32 to index
          %get3A_206 = arith.index_cast %while3A_172 : i32 to index
          %get3A_207 = arith.constant 64 : index
          %get3A_208 = tpu.vector_load %arg6[%get3A_205, %get3A_206, %get3A_207] {strides = array<i32>} : memref<2x64x128xf32, #tpu.memory_space<vmem>>, vector<1x1x16xf32>,
          %get3A_209 = vector.shape_cast %get3A_208 : vector<1x1x16xf32> to vector<16xf32>
          %max3A_210 = arith.maximumf %while3A_177, %get3A_209 : vector<16xf32>
          %get3A_211 = arith.index_cast %rem3A_135 : i32 to index
          %get3A_212 = arith.index_cast %while3A_172 : i32 to index
          %get3A_213 = arith.constant 80 : index
          %get3A_214 = tpu.vector_load %arg6[%get3A_211, %get3A_212, %get3A_213] {strides = array<i32>} : memref<2x64x128xf32, #tpu.memory_space<vmem>>, vector<1x1x16xf32>,
          %get3A_215 = vector.shape_cast %get3A_214 : vector<1x1x16xf32> to vector<16xf32>
          %max3A_216 = arith.maximumf %while3A_178, %get3A_215 : vector<16xf32>
          %get3A_217 = arith.index_cast %rem3A_135 : i32 to index
          %get3A_218 = arith.index_cast %while3A_172 : i32 to index
          %get3A_219 = arith.constant 96 : index
          %get3A_220 = tpu.vector_load %arg6[%get3A_217, %get3A_218, %get3A_219] {strides = array<i32>} : memref<2x64x128xf32, #tpu.memory_space<vmem>>, vector<1x1x16xf32>,
          %get3A_221 = vector.shape_cast %get3A_220 : vector<1x1x16xf32> to vector<16xf32>
          %max3A_222 = arith.maximumf %while3A_179, %get3A_221 : vector<16xf32>
          %get3A_223 = arith.index_cast %rem3A_135 : i32 to index
          %get3A_224 = arith.index_cast %while3A_172 : i32 to index
          %get3A_225 = arith.constant 112 : index
          %get3A_226 = tpu.vector_load %arg6[%get3A_223, %get3A_224, %get3A_225] {strides = array<i32>} : memref<2x64x128xf32, #tpu.memory_space<vmem>>, vector<1x1x16xf32>,
          %get3A_227 = vector.shape_cast %get3A_226 : vector<1x1x16xf32> to vector<16xf32>
          %max3A_228 = arith.maximumf %while3A_180, %get3A_227 : vector<16xf32>
          scf.yield %max3A_186, %max3A_192, %max3A_198, %max3A_204, %max3A_210, %max3A_216, %max3A_222, %max3A_228 : vector<16xf32>, vector<16xf32>, vector<16xf32>, vector<16xf32>, vector<16xf32>, vector<16xf32>, vector<16xf32>, vector<16xf32>
        }
        %while3A_170 = arith.constant 1 : i32
        %while3A_171:8 = scf.for %while3A_172 = %while3A_167 to %while3A_163 step %while3A_170 iter_args(%while3A_173 = %while3A_169#0, %while3A_174 = %while3A_169#1, %while3A_175 = %while3A_169#2, %while3A_176 = %while3A_169#3, %while3A_177 = %while3A_169#4, %while3A_178 = %while3A_169#5, %while3A_179 = %while3A_169#6, %while3A_180 = %while3A_169#7) -> (vector<16xf32>, vector<16xf32>, vector<16xf32>, vector<16xf32>, vector<16xf32>, vector<16xf32>, vector<16xf32>, vector<16xf32>)  : i32 {
          %get3A_181 = arith.index_cast %rem3A_135 : i32 to index
          %get3A_182 = arith.index_cast %while3A_172 : i32 to index
          %get3A_183 = arith.constant 0 : index
          %get3A_184 = tpu.vector_load %arg6[%get3A_181, %get3A_182, %get3A_183] {strides = array<i32>} : memref<2x64x128xf32, #tpu.memory_space<vmem>>, vector<1x1x16xf32>,
          %get3A_185 = vector.shape_cast %get3A_184 : vector<1x1x16xf32> to vector<16xf32>
          %max3A_186 = arith.maximumf %while3A_173, %get3A_185 : vector<16xf32>
          %get3A_187 = arith.index_cast %rem3A_135 : i32 to index
          %get3A_188 = arith.index_cast %while3A_172 : i32 to index
          %get3A_189 = arith.constant 16 : index
          %get3A_190 = tpu.vector_load %arg6[%get3A_187, %get3A_188, %get3A_189] {strides = array<i32>} : memref<2x64x128xf32, #tpu.memory_space<vmem>>, vector<1x1x16xf32>,
          %get3A_191 = vector.shape_cast %get3A_190 : vector<1x1x16xf32> to vector<16xf32>
          %max3A_192 = arith.maximumf %while3A_174, %get3A_191 : vector<16xf32>
          %get3A_193 = arith.index_cast %rem3A_135 : i32 to index
          %get3A_194 = arith.index_cast %while3A_172 : i32 to index
          %get3A_195 = arith.constant 32 : index
          %get3A_196 = tpu.vector_load %arg6[%get3A_193, %get3A_194, %get3A_195] {strides = array<i32>} : memref<2x64x128xf32, #tpu.memory_space<vmem>>, vector<1x1x16xf32>,
          %get3A_197 = vector.shape_cast %get3A_196 : vector<1x1x16xf32> to vector<16xf32>
          %max3A_198 = arith.maximumf %while3A_175, %get3A_197 : vector<16xf32>
          %get3A_199 = arith.index_cast %rem3A_135 : i32 to index
          %get3A_200 = arith.index_cast %while3A_172 : i32 to index
          %get3A_201 = arith.constant 48 : index
          %get3A_202 = tpu.vector_load %arg6[%get3A_199, %get3A_200, %get3A_201] {strides = array<i32>} : memref<2x64x128xf32, #tpu.memory_space<vmem>>, vector<1x1x16xf32>,
          %get3A_203 = vector.shape_cast %get3A_202 : vector<1x1x16xf32> to vector<16xf32>
          %max3A_204 = arith.maximumf %while3A_176, %get3A_203 : vector<16xf32>
          %get3A_205 = arith.index_cast %rem3A_135 : i32 to index
          %get3A_206 = arith.index_cast %while3A_172 : i32 to index
          %get3A_207 = arith.constant 64 : index
          %get3A_208 = tpu.vector_load %arg6[%get3A_205, %get3A_206, %get3A_207] {strides = array<i32>} : memref<2x64x128xf32, #tpu.memory_space<vmem>>, vector<1x1x16xf32>,
          %get3A_209 = vector.shape_cast %get3A_208 : vector<1x1x16xf32> to vector<16xf32>
          %max3A_210 = arith.maximumf %while3A_177, %get3A_209 : vector<16xf32>
          %get3A_211 = arith.index_cast %rem3A_135 : i32 to index
          %get3A_212 = arith.index_cast %while3A_172 : i32 to index
          %get3A_213 = arith.constant 80 : index
          %get3A_214 = tpu.vector_load %arg6[%get3A_211, %get3A_212, %get3A_213] {strides = array<i32>} : memref<2x64x128xf32, #tpu.memory_space<vmem>>, vector<1x1x16xf32>,
          %get3A_215 = vector.shape_cast %get3A_214 : vector<1x1x16xf32> to vector<16xf32>
          %max3A_216 = arith.maximumf %while3A_178, %get3A_215 : vector<16xf32>
          %get3A_217 = arith.index_cast %rem3A_135 : i32 to index
          %get3A_218 = arith.index_cast %while3A_172 : i32 to index
          %get3A_219 = arith.constant 96 : index
          %get3A_220 = tpu.vector_load %arg6[%get3A_217, %get3A_218, %get3A_219] {strides = array<i32>} : memref<2x64x128xf32, #tpu.memory_space<vmem>>, vector<1x1x16xf32>,
          %get3A_221 = vector.shape_cast %get3A_220 : vector<1x1x16xf32> to vector<16xf32>
          %max3A_222 = arith.maximumf %while3A_179, %get3A_221 : vector<16xf32>
          %get3A_223 = arith.index_cast %rem3A_135 : i32 to index
          %get3A_224 = arith.index_cast %while3A_172 : i32 to index
          %get3A_225 = arith.constant 112 : index
          %get3A_226 = tpu.vector_load %arg6[%get3A_223, %get3A_224, %get3A_225] {strides = array<i32>} : memref<2x64x128xf32, #tpu.memory_space<vmem>>, vector<1x1x16xf32>,
          %get3A_227 = vector.shape_cast %get3A_226 : vector<1x1x16xf32> to vector<16xf32>
          %max3A_228 = arith.maximumf %while3A_180, %get3A_227 : vector<16xf32>
          scf.yield %max3A_186, %max3A_192, %max3A_198, %max3A_204, %max3A_210, %max3A_216, %max3A_222, %max3A_228 : vector<16xf32>, vector<16xf32>, vector<16xf32>, vector<16xf32>, vector<16xf32>, vector<16xf32>, vector<16xf32>, vector<16xf32>
        }
        scf.yield %while3A_171#0, %while3A_171#1, %while3A_171#2, %while3A_171#3, %while3A_171#4, %while3A_171#5, %while3A_171#6, %while3A_171#7 : vector<16xf32>, vector<16xf32>, vector<16xf32>, vector<16xf32>, vector<16xf32>, vector<16xf32>, vector<16xf32>, vector<16xf32>
      }
      %swap3A = arith.constant 0 : index
      %swap3A_94 = tpu.vector_load %arg7[%swap3A] {strides = array<i32>} : memref<128xf32, #tpu.memory_space<vmem>>, vector<16xf32>,
      %swap3A_95 = vector.shape_cast %swap3A_94 : vector<16xf32> to vector<16xf32>
      %swap3A_96 = vector.shape_cast %while3A_93#0 : vector<16xf32> to vector<16xf32>
      tpu.vector_store %arg7[%swap3A], %swap3A_96 {strides = array<i32>} : memref<128xf32, #tpu.memory_space<vmem>>, vector<16xf32>,
      %swap3A_97 = arith.constant 16 : index
      %swap3A_98 = tpu.vector_load %arg7[%swap3A_97] {strides = array<i32>} : memref<128xf32, #tpu.memory_space<vmem>>, vector<16xf32>,
      %swap3A_99 = vector.shape_cast %swap3A_98 : vector<16xf32> to vector<16xf32>
      %swap3A_100 = vector.shape_cast %while3A_93#1 : vector<16xf32> to vector<16xf32>
      tpu.vector_store %arg7[%swap3A_97], %swap3A_100 {strides = array<i32>} : memref<128xf32, #tpu.memory_space<vmem>>, vector<16xf32>,
      %swap3A_101 = arith.constant 32 : index
      %swap3A_102 = tpu.vector_load %arg7[%swap3A_101] {strides = array<i32>} : memref<128xf32, #tpu.memory_space<vmem>>, vector<16xf32>,
      %swap3A_103 = vector.shape_cast %swap3A_102 : vector<16xf32> to vector<16xf32>
      %swap3A_104 = vector.shape_cast %while3A_93#2 : vector<16xf32> to vector<16xf32>
      tpu.vector_store %arg7[%swap3A_101], %swap3A_104 {strides = array<i32>} : memref<128xf32, #tpu.memory_space<vmem>>, vector<16xf32>,
      %swap3A_105 = arith.constant 48 : index
      %swap3A_106 = tpu.vector_load %arg7[%swap3A_105] {strides = array<i32>} : memref<128xf32, #tpu.memory_space<vmem>>, vector<16xf32>,
      %swap3A_107 = vector.shape_cast %swap3A_106 : vector<16xf32> to vector<16xf32>
      %swap3A_108 = vector.shape_cast %while3A_93#3 : vector<16xf32> to vector<16xf32>
      tpu.vector_store %arg7[%swap3A_105], %swap3A_108 {strides = array<i32>} : memref<128xf32, #tpu.memory_space<vmem>>, vector<16xf32>,
      %swap3A_109 = arith.constant 64 : index
      %swap3A_110 = tpu.vector_load %arg7[%swap3A_109] {strides = array<i32>} : memref<128xf32, #tpu.memory_space<vmem>>, vector<16xf32>,
      %swap3A_111 = vector.shape_cast %swap3A_110 : vector<16xf32> to vector<16xf32>
      %swap3A_112 = vector.shape_cast %while3A_93#4 : vector<16xf32> to vector<16xf32>
      tpu.vector_store %arg7[%swap3A_109], %swap3A_112 {strides = array<i32>} : memref<128xf32, #tpu.memory_space<vmem>>, vector<16xf32>,
      %swap3A_113 = arith.constant 80 : index
      %swap3A_114 = tpu.vector_load %arg7[%swap3A_113] {strides = array<i32>} : memref<128xf32, #tpu.memory_space<vmem>>, vector<16xf32>,
      %swap3A_115 = vector.shape_cast %swap3A_114 : vector<16xf32> to vector<16xf32>
      %swap3A_116 = vector.shape_cast %while3A_93#5 : vector<16xf32> to vector<16xf32>
      tpu.vector_store %arg7[%swap3A_113], %swap3A_116 {strides = array<i32>} : memref<128xf32, #tpu.memory_space<vmem>>, vector<16xf32>,
      %swap3A_117 = arith.constant 96 : index
      %swap3A_118 = tpu.vector_load %arg7[%swap3A_117] {strides = array<i32>} : memref<128xf32, #tpu.memory_space<vmem>>, vector<16xf32>,
      %swap3A_119 = vector.shape_cast %swap3A_118 : vector<16xf32> to vector<16xf32>
      %swap3A_120 = vector.shape_cast %while3A_93#6 : vector<16xf32> to vector<16xf32>
      tpu.vector_store %arg7[%swap3A_117], %swap3A_120 {strides = array<i32>} : memref<128xf32, #tpu.memory_space<vmem>>, vector<16xf32>,
      %swap3A_121 = arith.constant 112 : index
      %swap3A_122 = tpu.vector_load %arg7[%swap3A_121] {strides = array<i32>} : memref<128xf32, #tpu.memory_space<vmem>>, vector<16xf32>,
      %swap3A_123 = vector.shape_cast %swap3A_122 : vector<16xf32> to vector<16xf32>
      %swap3A_124 = vector.shape_cast %while3A_93#7 : vector<16xf32> to vector<16xf32>
      tpu.vector_store %arg7[%swap3A_121], %swap3A_124 {strides = array<i32>} : memref<128xf32, #tpu.memory_space<vmem>>, vector<16xf32>,
      "tpu.region"() ({
        %run_scoped3A = tpu.sem_alloc : memref<!tpu.dma_semaphore, #tpu.memory_space<semaphore_mem>>
        %dma_start3A_125 = tpu.memref_slice %arg4[%scan3A_8, %multiple_of3A] : memref<4x4096xf32, #tpu.memory_space<hbm>> -> memref<1x128xf32, #tpu.memory_space<hbm>>
        %dma_start3A_126 = tpu.memref_squeeze %dma_start3A_125 : memref<1x128xf32, #tpu.memory_space<hbm>> -> memref<128xf32, #tpu.memory_space<hbm>>
        %dma_start3A_127 = tpu.memref_slice %arg4[%scan3A_8, %multiple_of3A] : memref<4x4096xf32, #tpu.memory_space<hbm>> -> memref<1x128xf32, #tpu.memory_space<hbm>>
        %dma_start3A_128 = tpu.memref_squeeze %dma_start3A_127 : memref<1x128xf32, #tpu.memory_space<hbm>> -> memref<128xf32, #tpu.memory_space<hbm>>
        tpu.enqueue_dma source(%arg7 : memref<128xf32, #tpu.memory_space<vmem>>) target(%dma_start3A_128 : memref<128xf32, #tpu.memory_space<hbm>>) target_semaphore(%run_scoped3A : memref<!tpu.dma_semaphore, #tpu.memory_space<semaphore_mem>>)
        %dma_wait3A = tpu.memref_slice %arg4[%scan3A_8, %multiple_of3A] : memref<4x4096xf32, #tpu.memory_space<hbm>> -> memref<1x128xf32, #tpu.memory_space<hbm>>
        %dma_wait3A_129 = tpu.memref_squeeze %dma_wait3A : memref<1x128xf32, #tpu.memory_space<hbm>> -> memref<128xf32, #tpu.memory_space<hbm>>
        %dma_wait3A_130 = tpu.memref_slice %arg4[%scan3A_8, %multiple_of3A] : memref<4x4096xf32, #tpu.memory_space<hbm>> -> memref<1x128xf32, #tpu.memory_space<hbm>>
        %dma_wait3A_131 = tpu.memref_squeeze %dma_wait3A_130 : memref<1x128xf32, #tpu.memory_space<hbm>> -> memref<128xf32, #tpu.memory_space<hbm>>
        tpu.wait_dma2 semaphore(%run_scoped3A : memref<!tpu.dma_semaphore, #tpu.memory_space<semaphore_mem>>) src(%arg7 : memref<128xf32, #tpu.memory_space<vmem>>) dst(%dma_wait3A_131 : memref<128xf32, #tpu.memory_space<hbm>>)
        tpu.yield
      }) : () -> ()
    }
    %scan3A_7 = arith.constant 4 : i32
    return
  }
}

module attributes {stable_mosaic.version = 14 : i64} {
  func.func @_linear_body(%arg0: i32, %arg1: memref<16x4096xf32, #tpu.memory_space<vmem>>, %arg2: memref<512x4096xf32, #tpu.memory_space<vmem>>, %arg3: memref<1x512xf32, #tpu.memory_space<vmem>>, %arg4: memref<16x512xf32, #tpu.memory_space<vmem>>) attributes {dimension_semantics = [#tpu.dimension_semantics<arbitrary>], iteration_bounds = array<i64: 16>, scalar_prefetch = 0 : i64, scratch_operands = 0 : i64, tpu.core_type = #tpu.core_type<tc>, window_params = [{pipeline_mode = #tpu.pipeline_mode<synchronous>, transform_indices = @transform_0, window_bounds = array<i64: 16, 4096>}, {transform_indices = @transform_1, window_bounds = array<i64: 512, 4096>}, {transform_indices = @transform_2, window_bounds = array<i64: 1, 512>}, {transform_indices = @transform_3, window_bounds = array<i64: 16, 512>}]} {
    %get3A = arith.constant 0 : index
    %get3A_0 = arith.constant 0 : index
    %get3A_1 = vector.load %arg1[%get3A, %get3A_0] : memref<16x4096xf32, #tpu.memory_space<vmem>>, vector<16x4096xf32>
    %get3A_2 = arith.constant 0 : index
    %get3A_3 = arith.constant 0 : index
    %get3A_4 = vector.load %arg2[%get3A_2, %get3A_3] : memref<512x4096xf32, #tpu.memory_space<vmem>>, vector<512x4096xf32>
    %dot_general3A = arith.constant dense<0.000000e+00> : vector<16x512xf32>
    %dot_general3A_5 = tpu.matmul %get3A_1, %get3A_4, %dot_general3A {dimension_numbers = #tpu.dot_dimension_numbers<[1], [1], [0], [0], [0, 0, 1, 0], [], []>, transpose_lhs_hint = false} : vector<16x4096xf32>, vector<512x4096xf32>, vector<16x512xf32> -> vector<16x512xf32>
    %get3A_6 = arith.constant 0 : index
    %get3A_7 = arith.constant 0 : index
    %get3A_8 = vector.load %arg3[%get3A_6, %get3A_7] : memref<1x512xf32, #tpu.memory_space<vmem>>, vector<1x512xf32>
    %add3A = vector.broadcast %get3A_8 : vector<1x512xf32> to vector<16x512xf32>
    %add3A_9 = arith.addf %dot_general3A_5, %add3A : vector<16x512xf32>
    %swap3A = arith.constant 0 : index
    %swap3A_10 = arith.constant 0 : index
    %swap3A_11 = vector.load %arg4[%swap3A, %swap3A_10] : memref<16x512xf32, #tpu.memory_space<vmem>>, vector<16x512xf32>
    tpu.vector_store %arg4[%swap3A, %swap3A_10], %add3A_9 {strides = array<i32>} : memref<16x512xf32, #tpu.memory_space<vmem>>, vector<16x512xf32>,
    return
  }
  func.func @transform_0(%arg0: i32) -> (i32, i32) {
    %c0_i32 = arith.constant 0 : i32
    %c0_i32_0 = arith.constant 0 : i32
    %c0_i32_1 = arith.constant 0 : i32
    return %c0_i32, %c0_i32_0 : i32, i32
  }
  func.func @transform_1(%arg0: i32) -> (i32, i32) {
    %c0_i32 = arith.constant 0 : i32
    %c0_i32_0 = arith.constant 0 : i32
    return %arg0, %c0_i32 : i32, i32
  }
  func.func @transform_2(%arg0: i32) -> (i32, i32) {
    %c0_i32 = arith.constant 0 : i32
    %c0_i32_0 = arith.constant 0 : i32
    return %c0_i32, %arg0 : i32, i32
  }
  func.func @transform_3(%arg0: i32) -> (i32, i32) {
    %c0_i32 = arith.constant 0 : i32
    %c0_i32_0 = arith.constant 0 : i32
    return %c0_i32, %arg0 : i32, i32
  }
}

module attributes {stable_mosaic.version = 14 : i64} {
  func.func @_pool_body(%arg0: i32, %arg1: i32, %arg2: memref<16xi32, #tpu.memory_space<smem>>, %arg3: memref<1x256x4096xf32, #tpu.memory_space<vmem>>, %arg4: memref<1x1x4096xf32, #tpu.memory_space<vmem>>) attributes {dimension_semantics = [#tpu.dimension_semantics<arbitrary>, #tpu.dimension_semantics<arbitrary>], iteration_bounds = array<i64: 12, 2>, scalar_prefetch = 1 : i64, scratch_operands = 0 : i64, tpu.core_type = #tpu.core_type<tc>, window_params = [{transform_indices = @transform_0, window_bounds = array<i64: 1, 256, 4096>}, {transform_indices = @transform_1, window_bounds = array<i64: 1, 1, 4096>}]} {
    %get3A = arith.index_cast %arg0 : i32 to index
    %get3A_0 = memref.load %arg2[%get3A] : memref<16xi32, #tpu.memory_space<smem>>
    %min3A = arith.constant 512 : i32
    %min3A_1 = arith.minsi %get3A_0, %min3A : i32
    %add3A = arith.constant 256 : i32
    %add3A_2 = arith.addi %min3A_1, %add3A : i32
    %sub3A = arith.constant 1 : i32
    %sub3A_3 = arith.subi %add3A_2, %sub3A : i32
    %jit3A = arith.constant 256 : i32
    %div3A = arith.divsi %sub3A_3, %jit3A : i32
    %sign3A = arith.constant 0 : i32
    %sign3A_4 = arith.cmpi sgt, %sub3A_3, %sign3A : i32
    %sign3A_5 = arith.extui %sign3A_4 : i1 to i32
    %sign3A_6 = arith.constant 0 : i32
    %sign3A_7 = arith.cmpi slt, %sub3A_3, %sign3A_6 : i32
    %sign3A_8 = arith.extui %sign3A_7 : i1 to i32
    %sign3A_9 = arith.subi %sign3A_5, %sign3A_8 : i32
    %sign3A_10 = arith.constant 0 : i32
    %sign3A_11 = arith.cmpi sgt, %jit3A, %sign3A_10 : i32
    %sign3A_12 = arith.extui %sign3A_11 : i1 to i32
    %sign3A_13 = arith.constant 0 : i32
    %sign3A_14 = arith.cmpi slt, %jit3A, %sign3A_13 : i32
    %sign3A_15 = arith.extui %sign3A_14 : i1 to i32
    %sign3A_16 = arith.subi %sign3A_12, %sign3A_15 : i32
    %ne3A = arith.cmpi ne, %sign3A_9, %sign3A_16 : i32
    %rem3A = arith.remsi %sub3A_3, %jit3A : i32
    %ne3A_17 = arith.constant 0 : i32
    %ne3A_18 = arith.cmpi ne, %rem3A, %ne3A_17 : i32
    %and3A = arith.andi %ne3A, %ne3A_18 : i1
    %sub3A_19 = arith.constant 1 : i32
    %sub3A_20 = arith.subi %div3A, %sub3A_19 : i32
    %select_n3A = arith.select %and3A, %sub3A_20, %div3A : i32
    %sub3A_21 = arith.constant 1 : i32
    %sub3A_22 = arith.subi %select_n3A, %sub3A_21 : i32
    %eq3A = arith.constant 0 : i32
    %eq3A_23 = arith.cmpi eq, %arg1, %eq3A : i32
    %convert_element_type3A = arith.extui %eq3A_23 : i1 to i32
    %cond3A = arith.constant 0 : i32
    %cond3A_24 = arith.cmpi ne, %convert_element_type3A, %cond3A : i32
    scf.if %cond3A_24 {
      %broadcast_in_dim3A = arith.constant 0xFF800000 : f32
      %broadcast_in_dim3A_28 = vector.broadcast %broadcast_in_dim3A : f32 to vector<1x1x4096xf32>
      %swap3A = arith.constant 0 : index
      %swap3A_29 = arith.constant 0 : index
      %swap3A_30 = arith.constant 0 : index
      %swap3A_31 = vector.load %arg4[%swap3A, %swap3A_29, %swap3A_30] : memref<1x1x4096xf32, #tpu.memory_space<vmem>>, vector<1x1x4096xf32>
      tpu.vector_store %arg4[%swap3A, %swap3A_29, %swap3A_30], %broadcast_in_dim3A_28 {strides = array<i32>} : memref<1x1x4096xf32, #tpu.memory_space<vmem>>, vector<1x1x4096xf32>,
    } else {
    }
    %le3A = arith.cmpi sle, %arg1, %sub3A_22 : i32
    %convert_element_type3A_25 = arith.extui %le3A : i1 to i32
    %cond3A_26 = arith.constant 0 : i32
    %cond3A_27 = arith.cmpi ne, %convert_element_type3A_25, %cond3A_26 : i32
    scf.if %cond3A_27 {
      %min3A_28 = arith.minsi %arg1, %sub3A_22 : i32
      %mul3A = arith.constant 256 : i32
      %mul3A_29 = arith.muli %min3A_28, %mul3A : i32
      %iota3A = tpu.iota {dimensions = array<i32: 0>} : vector<256x1xi32>
      %add3A_30 = vector.broadcast %mul3A_29 : i32 to vector<256x1xi32>
      %add3A_31 = arith.addi %add3A_30, %iota3A : vector<256x1xi32>
      %lt3A = vector.broadcast %min3A_1 : i32 to vector<256x1xi32>
      %lt3A_32 = arith.cmpi slt, %add3A_31, %lt3A : vector<256x1xi32>
      %get3A_33 = arith.constant 0 : index
      %get3A_34 = arith.constant 0 : index
      %get3A_35 = arith.constant 0 : index
      %get3A_36 = vector.load %arg3[%get3A_33, %get3A_34, %get3A_35] : memref<1x256x4096xf32, #tpu.memory_space<vmem>>, vector<1x256x4096xf32>
      %get3A_37 = vector.shape_cast %get3A_36 : vector<1x256x4096xf32> to vector<256x4096xf32>
      %jit3A_38 = arith.constant 0xFF800000 : f32
      %broadcast_in_dim3A = vector.shape_cast %lt3A_32 : vector<256x1xi1> to vector<256x1xi1>
      %broadcast_in_dim3A_39 = vector.broadcast %broadcast_in_dim3A : vector<256x1xi1> to vector<256x4096xi1>
      %broadcast_in_dim3A_40 = vector.broadcast %jit3A_38 : f32 to vector<256x4096xf32>
      %select_n3A_41 = arith.select %broadcast_in_dim3A_39, %get3A_37, %broadcast_in_dim3A_40 : vector<256x4096xi1>, vector<256x4096xf32>
      %slice3A = vector.extract_strided_slice %select_n3A_41 {offsets = [0, 0], sizes = [8, 4096], strides = [1, 1]} : vector<256x4096xf32> to vector<8x4096xf32>
      %slice3A_42 = vector.extract_strided_slice %select_n3A_41 {offsets = [8, 0], sizes = [8, 4096], strides = [1, 1]} : vector<256x4096xf32> to vector<8x4096xf32>
      %max3A = arith.maximumf %slice3A, %slice3A_42 : vector<8x4096xf32>
      %slice3A_43 = vector.extract_strided_slice %select_n3A_41 {offsets = [16, 0], sizes = [8, 4096], strides = [1, 1]} : vector<256x4096xf32> to vector<8x4096xf32>
      %max3A_44 = arith.maximumf %max3A, %slice3A_43 : vector<8x4096xf32>
      %slice3A_45 = vector.extract_strided_slice %select_n3A_41 {offsets = [24, 0], sizes = [8, 4096], strides = [1, 1]} : vector<256x4096xf32> to vector<8x4096xf32>
      %max3A_46 = arith.maximumf %max3A_44, %slice3A_45 : vector<8x4096xf32>
      %slice3A_47 = vector.extract_strided_slice %select_n3A_41 {offsets = [32, 0], sizes = [8, 4096], strides = [1, 1]} : vector<256x4096xf32> to vector<8x4096xf32>
      %max3A_48 = arith.maximumf %max3A_46, %slice3A_47 : vector<8x4096xf32>
      %slice3A_49 = vector.extract_strided_slice %select_n3A_41 {offsets = [40, 0], sizes = [8, 4096], strides = [1, 1]} : vector<256x4096xf32> to vector<8x4096xf32>
      %max3A_50 = arith.maximumf %max3A_48, %slice3A_49 : vector<8x4096xf32>
      %slice3A_51 = vector.extract_strided_slice %select_n3A_41 {offsets = [48, 0], sizes = [8, 4096], strides = [1, 1]} : vector<256x4096xf32> to vector<8x4096xf32>
      %max3A_52 = arith.maximumf %max3A_50, %slice3A_51 : vector<8x4096xf32>
      %slice3A_53 = vector.extract_strided_slice %select_n3A_41 {offsets = [56, 0], sizes = [8, 4096], strides = [1, 1]} : vector<256x4096xf32> to vector<8x4096xf32>
      %max3A_54 = arith.maximumf %max3A_52, %slice3A_53 : vector<8x4096xf32>
      %slice3A_55 = vector.extract_strided_slice %select_n3A_41 {offsets = [64, 0], sizes = [8, 4096], strides = [1, 1]} : vector<256x4096xf32> to vector<8x4096xf32>
      %max3A_56 = arith.maximumf %max3A_54, %slice3A_55 : vector<8x4096xf32>
      %slice3A_57 = vector.extract_strided_slice %select_n3A_41 {offsets = [72, 0], sizes = [8, 4096], strides = [1, 1]} : vector<256x4096xf32> to vector<8x4096xf32>
      %max3A_58 = arith.maximumf %max3A_56, %slice3A_57 : vector<8x4096xf32>
      %slice3A_59 = vector.extract_strided_slice %select_n3A_41 {offsets = [80, 0], sizes = [8, 4096], strides = [1, 1]} : vector<256x4096xf32> to vector<8x4096xf32>
      %max3A_60 = arith.maximumf %max3A_58, %slice3A_59 : vector<8x4096xf32>
      %slice3A_61 = vector.extract_strided_slice %select_n3A_41 {offsets = [88, 0], sizes = [8, 4096], strides = [1, 1]} : vector<256x4096xf32> to vector<8x4096xf32>
      %max3A_62 = arith.maximumf %max3A_60, %slice3A_61 : vector<8x4096xf32>
      %slice3A_63 = vector.extract_strided_slice %select_n3A_41 {offsets = [96, 0], sizes = [8, 4096], strides = [1, 1]} : vector<256x4096xf32> to vector<8x4096xf32>
      %max3A_64 = arith.maximumf %max3A_62, %slice3A_63 : vector<8x4096xf32>
      %slice3A_65 = vector.extract_strided_slice %select_n3A_41 {offsets = [104, 0], sizes = [8, 4096], strides = [1, 1]} : vector<256x4096xf32> to vector<8x4096xf32>
      %max3A_66 = arith.maximumf %max3A_64, %slice3A_65 : vector<8x4096xf32>
      %slice3A_67 = vector.extract_strided_slice %select_n3A_41 {offsets = [112, 0], sizes = [8, 4096], strides = [1, 1]} : vector<256x4096xf32> to vector<8x4096xf32>
      %max3A_68 = arith.maximumf %max3A_66, %slice3A_67 : vector<8x4096xf32>
      %slice3A_69 = vector.extract_strided_slice %select_n3A_41 {offsets = [120, 0], sizes = [8, 4096], strides = [1, 1]} : vector<256x4096xf32> to vector<8x4096xf32>
      %max3A_70 = arith.maximumf %max3A_68, %slice3A_69 : vector<8x4096xf32>
      %slice3A_71 = vector.extract_strided_slice %select_n3A_41 {offsets = [128, 0], sizes = [8, 4096], strides = [1, 1]} : vector<256x4096xf32> to vector<8x4096xf32>
      %max3A_72 = arith.maximumf %max3A_70, %slice3A_71 : vector<8x4096xf32>
      %slice3A_73 = vector.extract_strided_slice %select_n3A_41 {offsets = [136, 0], sizes = [8, 4096], strides = [1, 1]} : vector<256x4096xf32> to vector<8x4096xf32>
      %max3A_74 = arith.maximumf %max3A_72, %slice3A_73 : vector<8x4096xf32>
      %slice3A_75 = vector.extract_strided_slice %select_n3A_41 {offsets = [144, 0], sizes = [8, 4096], strides = [1, 1]} : vector<256x4096xf32> to vector<8x4096xf32>
      %max3A_76 = arith.maximumf %max3A_74, %slice3A_75 : vector<8x4096xf32>
      %slice3A_77 = vector.extract_strided_slice %select_n3A_41 {offsets = [152, 0], sizes = [8, 4096], strides = [1, 1]} : vector<256x4096xf32> to vector<8x4096xf32>
      %max3A_78 = arith.maximumf %max3A_76, %slice3A_77 : vector<8x4096xf32>
      %slice3A_79 = vector.extract_strided_slice %select_n3A_41 {offsets = [160, 0], sizes = [8, 4096], strides = [1, 1]} : vector<256x4096xf32> to vector<8x4096xf32>
      %max3A_80 = arith.maximumf %max3A_78, %slice3A_79 : vector<8x4096xf32>
      %slice3A_81 = vector.extract_strided_slice %select_n3A_41 {offsets = [168, 0], sizes = [8, 4096], strides = [1, 1]} : vector<256x4096xf32> to vector<8x4096xf32>
      %max3A_82 = arith.maximumf %max3A_80, %slice3A_81 : vector<8x4096xf32>
      %slice3A_83 = vector.extract_strided_slice %select_n3A_41 {offsets = [176, 0], sizes = [8, 4096], strides = [1, 1]} : vector<256x4096xf32> to vector<8x4096xf32>
      %max3A_84 = arith.maximumf %max3A_82, %slice3A_83 : vector<8x4096xf32>
      %slice3A_85 = vector.extract_strided_slice %select_n3A_41 {offsets = [184, 0], sizes = [8, 4096], strides = [1, 1]} : vector<256x4096xf32> to vector<8x4096xf32>
      %max3A_86 = arith.maximumf %max3A_84, %slice3A_85 : vector<8x4096xf32>
      %slice3A_87 = vector.extract_strided_slice %select_n3A_41 {offsets = [192, 0], sizes = [8, 4096], strides = [1, 1]} : vector<256x4096xf32> to vector<8x4096xf32>
      %max3A_88 = arith.maximumf %max3A_86, %slice3A_87 : vector<8x4096xf32>
      %slice3A_89 = vector.extract_strided_slice %select_n3A_41 {offsets = [200, 0], sizes = [8, 4096], strides = [1, 1]} : vector<256x4096xf32> to vector<8x4096xf32>
      %max3A_90 = arith.maximumf %max3A_88, %slice3A_89 : vector<8x4096xf32>
      %slice3A_91 = vector.extract_strided_slice %select_n3A_41 {offsets = [208, 0], sizes = [8, 4096], strides = [1, 1]} : vector<256x4096xf32> to vector<8x4096xf32>
      %max3A_92 = arith.maximumf %max3A_90, %slice3A_91 : vector<8x4096xf32>
      %slice3A_93 = vector.extract_strided_slice %select_n3A_41 {offsets = [216, 0], sizes = [8, 4096], strides = [1, 1]} : vector<256x4096xf32> to vector<8x4096xf32>
      %max3A_94 = arith.maximumf %max3A_92, %slice3A_93 : vector<8x4096xf32>
      %slice3A_95 = vector.extract_strided_slice %select_n3A_41 {offsets = [224, 0], sizes = [8, 4096], strides = [1, 1]} : vector<256x4096xf32> to vector<8x4096xf32>
      %max3A_96 = arith.maximumf %max3A_94, %slice3A_95 : vector<8x4096xf32>
      %slice3A_97 = vector.extract_strided_slice %select_n3A_41 {offsets = [232, 0], sizes = [8, 4096], strides = [1, 1]} : vector<256x4096xf32> to vector<8x4096xf32>
      %max3A_98 = arith.maximumf %max3A_96, %slice3A_97 : vector<8x4096xf32>
      %slice3A_99 = vector.extract_strided_slice %select_n3A_41 {offsets = [240, 0], sizes = [8, 4096], strides = [1, 1]} : vector<256x4096xf32> to vector<8x4096xf32>
      %max3A_100 = arith.maximumf %max3A_98, %slice3A_99 : vector<8x4096xf32>
      %slice3A_101 = vector.extract_strided_slice %select_n3A_41 {offsets = [248, 0], sizes = [8, 4096], strides = [1, 1]} : vector<256x4096xf32> to vector<8x4096xf32>
      %max3A_102 = arith.maximumf %max3A_100, %slice3A_101 : vector<8x4096xf32>
      %get3A_103 = arith.constant 0 : index
      %get3A_104 = arith.constant 0 : index
      %get3A_105 = arith.constant 0 : index
      %get3A_106 = vector.load %arg4[%get3A_103, %get3A_104, %get3A_105] : memref<1x1x4096xf32, #tpu.memory_space<vmem>>, vector<1x1x4096xf32>
      %get3A_107 = vector.shape_cast %get3A_106 : vector<1x1x4096xf32> to vector<1x4096xf32>
      %reduce_max3A = arith.constant dense<0xFF800000> : vector<4096xf32>
      %reduce_max3A_108 = vector.multi_reduction <maximumf>, %max3A_102, %reduce_max3A [0] : vector<8x4096xf32> to vector<4096xf32>
      %broadcast_in_dim3A_109 = vector.shape_cast %reduce_max3A_108 : vector<4096xf32> to vector<1x4096xf32>
      %max3A_110 = arith.maximumf %get3A_107, %broadcast_in_dim3A_109 : vector<1x4096xf32>
      %swap3A = arith.constant 0 : index
      %swap3A_111 = arith.constant 0 : index
      %swap3A_112 = arith.constant 0 : index
      %swap3A_113 = vector.load %arg4[%swap3A, %swap3A_111, %swap3A_112] : memref<1x1x4096xf32, #tpu.memory_space<vmem>>, vector<1x1x4096xf32>
      %swap3A_114 = vector.shape_cast %swap3A_113 : vector<1x1x4096xf32> to vector<1x4096xf32>
      %swap3A_115 = vector.shape_cast %max3A_110 : vector<1x4096xf32> to vector<1x1x4096xf32>
      tpu.vector_store %arg4[%swap3A, %swap3A_111, %swap3A_112], %swap3A_115 {strides = array<i32>} : memref<1x1x4096xf32, #tpu.memory_space<vmem>>, vector<1x1x4096xf32>,
    } else {
    }
    return
  }
  func.func @transform_0(%arg0: i32, %arg1: i32, %arg2: memref<16xi32, #tpu.memory_space<smem>>) -> (i32, i32, i32) {
    %get3A = arith.index_cast %arg0 : i32 to index
    %get3A_0 = memref.load %arg2[%get3A] : memref<16xi32, #tpu.memory_space<smem>>
    %min3A = arith.constant 512 : i32
    %min3A_1 = arith.minsi %get3A_0, %min3A : i32
    %add3A = arith.constant 256 : i32
    %add3A_2 = arith.addi %min3A_1, %add3A : i32
    %sub3A = arith.constant 1 : i32
    %sub3A_3 = arith.subi %add3A_2, %sub3A : i32
    %jit3A = arith.constant 256 : i32
    %div3A = arith.divsi %sub3A_3, %jit3A : i32
    %sign3A = arith.constant 0 : i32
    %sign3A_4 = arith.cmpi sgt, %sub3A_3, %sign3A : i32
    %sign3A_5 = arith.extui %sign3A_4 : i1 to i32
    %sign3A_6 = arith.constant 0 : i32
    %sign3A_7 = arith.cmpi slt, %sub3A_3, %sign3A_6 : i32
    %sign3A_8 = arith.extui %sign3A_7 : i1 to i32
    %sign3A_9 = arith.subi %sign3A_5, %sign3A_8 : i32
    %sign3A_10 = arith.constant 0 : i32
    %sign3A_11 = arith.cmpi sgt, %jit3A, %sign3A_10 : i32
    %sign3A_12 = arith.extui %sign3A_11 : i1 to i32
    %sign3A_13 = arith.constant 0 : i32
    %sign3A_14 = arith.cmpi slt, %jit3A, %sign3A_13 : i32
    %sign3A_15 = arith.extui %sign3A_14 : i1 to i32
    %sign3A_16 = arith.subi %sign3A_12, %sign3A_15 : i32
    %ne3A = arith.cmpi ne, %sign3A_9, %sign3A_16 : i32
    %rem3A = arith.remsi %sub3A_3, %jit3A : i32
    %ne3A_17 = arith.constant 0 : i32
    %ne3A_18 = arith.cmpi ne, %rem3A, %ne3A_17 : i32
    %and3A = arith.andi %ne3A, %ne3A_18 : i1
    %sub3A_19 = arith.constant 1 : i32
    %sub3A_20 = arith.subi %div3A, %sub3A_19 : i32
    %select_n3A = arith.select %and3A, %sub3A_20, %div3A : i32
    %sub3A_21 = arith.constant 1 : i32
    %sub3A_22 = arith.subi %select_n3A, %sub3A_21 : i32
    %min3A_23 = arith.minsi %arg1, %sub3A_22 : i32
    %c0_i32 = arith.constant 0 : i32
    %c0_i32_24 = arith.constant 0 : i32
    return %arg0, %min3A_23, %c0_i32 : i32, i32, i32
  }
  func.func @transform_1(%arg0: i32, %arg1: i32, %arg2: memref<16xi32, #tpu.memory_space<smem>>) -> (i32, i32, i32) {
    %c0_i32 = arith.constant 0 : i32
    %c0_i32_0 = arith.constant 0 : i32
    %c0_i32_1 = arith.constant 0 : i32
    return %arg0, %c0_i32, %c0_i32_0 : i32, i32, i32
  }
}

</mosaic_0001>

<sc_bundles>
// kernel: kernel.5.cloned.1.call-start
scs
__scs_entry_jumppad:
0x0: {  	(pc) =	sbr.rel $0x88, $3  }
0x1: {  	(tag) =	ssettag $0x0;
	lr =	simm.s32 $0x1  }
0x2: {  	[smem:$0x3F9D] =	sst lr;
	_ =	strace $0xD0000000  }
0x3: {  	_ = 	snop  }
0x4: {  	_ = 	snop  }
0x5: {  	_ = 	snop  }
0x6: {  	_ = 	snop  }
0x7: {  	_ = 	snop  }
__scs_overlays_trampoline_lowered:
0x8: {  	[smem:$0x3FAC] =	sst s0  }
0x9: {  	[smem:$0x3FAD] =	sst s1  }
0xa: {  	[smem:$0x3FAE] =	sst s2  }
0xb: {  	[smem:$0x3FAF] =	sst s3  }
0xc: {  	[smem:$0x3FB0] =	sst s4  }
0xd: {  	[smem:$0x3FB1] =	sst s5  }
0xe: {  	[smem:$0x3FB2] =	sst s6  }
0xf: {  	[smem:$0x3FB3] =	sst s7  }
0x10: {  	[smem:$0x3FB4] =	sst s8  }
0x11: {  	[smem:$0x3FB5] =	sst s9;
	s0 =	simm.s32 @!p0 $0x0  }
0x12: {  	s1 =	sld [smem:$0x3F9B];
	s0 =	simm.s32 @p0 $0x1  }
0x13: {  	[smem:$0x3FB6] =	sst s0;
	s0 =	simm.s32 @!p1 $0x0  }
0x14: {  	s2 =	sld [smem:$0x3F9A];
	s0 =	simm.s32 @p1 $0x1  }
0x15: {  	[smem:$0x3FB7] =	sst s0;
	s0 =	simm.s32 @!p2 $0x0  }
0x16: {  	s3 =	sld [smem:$0x3FDB];
	s0 =	simm.s32 @p2 $0x1  }
0x17: {  	s4 =	simm.s32 $0x1BF5;
	[smem:$0x3FB9] =	sst s0  }
0x18: {  	s0 =	sld [smem:$0x3F9C];
	_ =	swait.ge [sflag:s4], $0x0  }
0x19: {  	s7 =	sld [smem:$0x3F9D]  }
0x1a: {  	s8 =	sadd.s32 $0xFFFFE003, lr  }
0x1b: {  	s9 =	sadd.s32 $0xFFFFFEF7, lr;
	s5 =	simm.s32 $0xFFFFFFFF;
	p2 =	slt.u32 s8, $0xFFFFF086  }
0x1c: {  	p1 =	slt.u32 s9, $0xF7A;
	s5 =	simm.s32 @!p2 $0x0  }
0x1d: {  	s5 =	simm.s32 @p1 $0x1;
	p0 =	seq.s32 s7, s2  }
0x1e: {  	s7 =	smul.u32 @!p0 $0xF7A, s2;
	p2 =	seq.s32 @!p0 s5, $0x0  }
0x1f: {  	s9 =	smul.u32 $0xF7A, s1;
	s8 =	simm.s32 @!p0 $0x1BF5;
	p2 =	por !p2, p0  }
0x20: {  	[sflag:s8] =	ssyncset.s32 @!p0 $0xFFFFF086;
	s6 =	sadd.s32 @!p0 s3, s7;
	s7 =	simm.s32 @!p0 $0x108  }
0x21: {  	s3 =	sadd.s32 s3, s9;
	s6 =	sadd.s32 @!p0 $0x88, s6;
	s7 =	simm.s32 @p2 $0x1082  }
0x22: {  	[simem:s7], [sflag:s8] =	dma.local @!p0 [hbm:s6], $0xF7A  }
0x23: {  	s9 =	sor.u32 $0xD0000000, s2;
	s6 =	simm.s32 $0x108;
	_ =	swait.ge @!p0 [sflag:s8], $0x0  }
0x24: {  	s3 =	sadd.s32 $0x88, s3;
	s6 =	simm.s32 @!p1 $0x1082;
	[sflag:s4] =	ssyncset.s32 $0xFFFFF086  }
0x25: {  	[simem:s6], [sflag:s4] =	dma.local [hbm:s3], $0xF7A  }
0x26: {  	[smem:$0x3F9D] =	sst s1;
	(tag) =	ssettag s2;
	_ =	strace s9  }
0x27: {  	s1 =	sld [smem:$0x3FAD]  }
0x28: {  	s2 =	sld [smem:$0x3FAE]  }
0x29: {  	s4 =	sld [smem:$0x3FB0]  }
0x2a: {  	p0 =	seq.s32 s5, $0x0;
	s5 =	sld [smem:$0x3FB1]  }
0x2b: {  	s6 =	sld [smem:$0x3FB2]  }
0x2c: {  	s7 =	sld [smem:$0x3FB3]  }
0x2d: {  	s3 =	simm.s32 $0x108;
	s8 =	sld [smem:$0x3FB4]  }
0x2e: {  	s3 =	simm.s32 @!p0 $0x1082;
	s9 =	sld [smem:$0x3FB5]  }
0x2f: {  	lr =	sadd.s32 s0, s3;
	s0 =	sld [smem:$0x3FAC]  }
0x30: {  	s3 =	sld [smem:$0x3FAF]  }
0x31: {  	[smem:$0x3FB8] =	sst s10  }
0x32: {  	s10 =	sld [smem:$0x3FB6];
	_ =	sdelay $0x3  }
0x33: {  	p0 =	seq.s32 s10, $0x1;
	s10 =	sld [smem:$0x3FB8];
	_ =	sdelay $0x3  }
0x34: {  	[smem:$0x3FB8] =	sst s10  }
0x35: {  	s10 =	sld [smem:$0x3FB7];
	_ =	sdelay $0x3  }
0x36: {  	p1 =	seq.s32 s10, $0x1;
	s10 =	sld [smem:$0x3FB8];
	_ =	sdelay $0x3  }
0x37: {  	[smem:$0x3FB8] =	sst s10  }
0x38: {  	s10 =	sld [smem:$0x3FB9]  }
0x39: {  	_ = 	snop;
	(pc) =	sbr.ind lr, $3  }
0x3a: {  	_ = 	snop  }
0x3b: {  	_ = 	snop  }
0x3c: {  	p2 =	seq.s32 s10, $0x1;
	s10 =	sld [smem:$0x3FB8]  }
0x3d: {  	_ =	shalt  }
0x3e: {  	_ =	shalt  }
0x3f: {  	_ =	shalt  }
0x40: {  	_ =	shalt  }
0x41: {  	_ =	shalt  }
0x42: {  	_ =	shalt  }
0x43: {  	_ =	shalt  }
0x44: {  	_ =	shalt  }
0x45: {  	_ =	shalt  }
0x46: {  	_ =	shalt  }
0x47: {  	_ =	shalt  }
0x48: {  	_ =	shalt  }
0x49: {  	_ =	shalt  }
0x4a: {  	_ =	shalt  }
0x4b: {  	_ =	shalt  }
0x4c: {  	_ =	shalt  }
0x4d: {  	_ =	shalt  }
0x4e: {  	_ =	shalt  }
0x4f: {  	_ =	shalt  }
0x50: {  	_ =	shalt  }
0x51: {  	_ =	shalt  }
0x52: {  	_ =	shalt  }
0x53: {  	_ =	shalt  }
0x54: {  	_ =	shalt  }
0x55: {  	_ =	shalt  }
0x56: {  	_ =	shalt  }
0x57: {  	_ =	shalt  }
0x58: {  	_ =	shalt  }
0x59: {  	_ =	shalt  }
0x5a: {  	_ =	shalt  }
0x5b: {  	_ =	shalt  }
0x5c: {  	_ =	shalt  }
0x5d: {  	_ =	shalt  }
0x5e: {  	_ =	shalt  }
0x5f: {  	_ =	shalt  }
0x60: {  	_ =	shalt  }
0x61: {  	_ =	shalt  }
0x62: {  	_ =	shalt  }
0x63: {  	_ =	shalt  }
0x64: {  	_ =	shalt  }
0x65: {  	_ =	shalt  }
0x66: {  	_ =	shalt  }
0x67: {  	_ =	shalt  }
0x68: {  	_ =	shalt  }
0x69: {  	_ =	shalt  }
0x6a: {  	_ =	shalt  }
0x6b: {  	_ =	shalt  }
0x6c: {  	_ =	shalt  }
0x6d: {  	_ =	shalt  }
0x6e: {  	_ =	shalt  }
0x6f: {  	_ =	shalt  }
0x70: {  	_ =	shalt  }
0x71: {  	_ =	shalt  }
0x72: {  	_ =	shalt  }
0x73: {  	_ =	shalt  }
0x74: {  	_ =	shalt  }
0x75: {  	_ =	shalt  }
0x76: {  	_ =	shalt  }
0x77: {  	_ =	shalt  }
0x78: {  	_ =	shalt  }
0x79: {  	_ =	shalt  }
0x7a: {  	_ =	shalt  }
0x7b: {  	_ =	shalt  }
0x7c: {  	_ =	shalt  }
0x7d: {  	_ =	shalt  }
0x7e: {  	_ =	shalt  }
0x7f: {  	_ =	shalt  }
0x80: {  	_ =	shalt  }
0x81: {  	_ =	shalt  }
0x82: {  	_ =	shalt  }
0x83: {  	_ =	shalt  }
0x84: {  	_ =	shalt  }
0x85: {  	_ =	shalt  }
0x86: {  	_ =	shalt  }
0x87: {  	_ =	shalt  }
.Lfunc_end0:
.L_simem_size_0:
called_computation_lowered:
.L_overlay_start_0:
0x88: {  	s2 =	sld [smem:$0x3FD9]  }
0x89: {  	s3 =	sld [smem:$0x3FFE];
	_ =	sdelay $0x1  }
0x8a: {  	s1 =	srdreg.scid  }
0x8b: {  	s0 =	sand.u32 $0x1, s1  }
0x8c: {  	s15 =	sshll.u32 s0, $0xA;
	s2 =	sadd.s32 s3, s2  }
0x8d: {  	s2 =	sadd.s32 s2, s15  }
0x8e: {  	[smem:$0x3FC4] =	sst s2  }
0x8f: {  	_ = 	snop  }
0x90: {  	s2 =	sld [smem:$0x3FD0];
	_ =	sdelay $0x1  }
0x91: {  	s16 =	sld [smem:$0x3FC9]  }
0x92: {  	s5 =	simm.s32 $0xA;
	s6 =	simm.s32 $0x10;
	s4 =	sld [smem:$0x3FC8]  }
0x93: {  	[smem:s6], [sflag:s5] =	dma.local [hbm:s2], $0x1  }
0x94: {  	_ =	swait.eq [sflag:s5], $0x1  }
0x95: {  	[sflag:s5] =	ssyncset.done $0x0  }
0x96: {  	[sflag:s5] =	ssyncadd.s32 $0xFFFFFFFF  }
0x97: {  	s17 =	sld [smem:$0x11];
	(tm) =	ssettm $0x1  }
0x98: {  	s18 =	sld [smem:$0x3FFB];
	_ =	sdelay $0x3  }
0x99: {  	_ =	strace s18  }
0x9a: {  	s5 =	sld [smem:$0x3FFC];
	_ =	sdelay $0x3  }
0x9b: {  	_ =	strace s5  }
0x9c: {  	s5 =	sld [smem:$0x3FFD];
	_ =	sdelay $0x3  }
0x9d: {  	_ =	strace s5  }
0x9e: {  	_ =	strace $0x8FFFFFFF  }
0x9f: {  	s19 =	sld [smem:$0x3FDB];
	_ =	sdelay $0x1  }
0xa0: {  	s20 =	simm.s32 $_scs_section_size  }
0xa1: {  	s7 =	simm.s32 $_size__tile_overlayer_lowered;
	s8 =	simm.s32 $_tile_overlayer_lowered  }
0xa2: {  	s23 =	simm.s32 $0x1BFF;
	s22 =	sshll.u32 s8, $0x1;
	s5 =	sadd.s32 s20, s19  }
0xa3: {  	s9 =	simm.s32 $0x0;
	s21 =	sshll.u32 s7, $0x1;
	s7 =	sadd.s32 s22, s5  }
0xa4: {  	[timem:s9], [sflag:s23] =	dma.local [hbm:s7], s21  }
0xa5: {  	_ =	swait.ge [sflag:s23], s21  }
0xa6: {  	s6 =	ssub.s32 $0x0, s21;
	[sflag:s23] =	ssyncset.done $0x0  }
0xa7: {  	[sflag:s23] =	ssyncadd.s32 s6;
	_ =	sdelay $0x1  }
0xa8: {  	s24 =	simm.s32 $0x1B8B  }
0xa9: {  	_ =	swait.ge [sflag:s24], $0x1  }
0xaa: {  	[sflag:s24] =	ssyncset.done $0x0  }
0xab: {  	s25 =	simm.s32 $0x1B8E;
	[sflag:s24] =	ssyncadd.s32 $0xFFFFFFFF  }
0xac: {  	s26 =	simm.s32 $execute0_lowered;
	[smem:$0x3FD2] =	sst s25  }
0xad: {  	s6 =	sshll.u32 s26, $0x1;
	_ =	strace $0x80000046;
	[dreg:$0x1] =	wrdreg $0xFFFFFFFF  }
0xae: {  	s28 =	simm.s32 $_size_execute0_lowered;
	s5 =	sadd.s32 s5, s6;
	[dreg:$0x0] =	wrdreg $0x0  }
0xaf: {  	s6 =	sshll.u32 s28, $0x1;
	[dreg:$0x2] =	wrdreg s5  }
0xb0: {  	[dreg:$0x3] =	wrdreg s6  }
0xb1: {  	[dreg:$0x4] =	wrdreg $0xC0  }
0xb2: {  	_ =	task [dreg:s9], $0x5FFFF  }
0xb3: {  	[dreg:$0x1] =	wrdreg $0xFFFFFFFF  }
0xb4: {  	[dreg:$0x0] =	wrdreg $0x60  }
0xb5: {  	[dreg:$0x2] =	wrdreg s16  }
0xb6: {  	[dreg:$0x3] =	wrdreg s4  }
0xb7: {  	[dreg:$0x4] =	wrdreg s17  }
0xb8: {  	[dreg:$0x5] =	wrdreg $0x9  }
0xb9: {  	_ =	task.clear_ibuf [dreg:s9], $0x6FFFF;
	_ =	strace $0x90000046  }
0xba: {  	s29 =	simm.s32 $0x9;
	_ =	strace $0x80000048  }
0xbb: {  	_ =	swait.ge [sflag:s29], $0x1  }
0xbc: {  	[sflag:s29] =	ssyncadd.s32 $0xFFFFFFFF  }
0xbd: {  	_ =	strace $0x90000048  }
0xbe: {  	_ =	sfence  }
0xbf: {  	s30 =	sld [smem:$0x0];
	_ =	sdelay $0x2  }
0xc0: {  	s31 =	sshll.u32 s1, $0xD;
	s1 =	sshrl.u32 s1, $0x2  }
0xc1: {  	s3 =	sand.u32 $0x4000, s31;
	s1 =	sadd.s32 s1, s30  }
0xc2: {  	s0 =	sor.u32 s3, s0;
	s1 =	sshll.u32 s1, $0x11  }
0xc3: {  	s0 =	sor.u32 s1, s0  }
0xc4: {  	s0 =	sadd.s32 $0x8F2B, s0  }
0xc5: {  	[sflag:s0] =	ssyncadd.remote.s32 $0x1  }
0xc6: {  	_ =	sfence.sel $0xFFFF  }
0xc7: {  	[dreg:$0x0] =	wrdreg $0xFFFFFFFF;
	(pc) =	sbr.abs _section_cstart, $3  }
0xc8: {  	[dreg:$0x1] =	wrdreg $0xFFFFFFFF  }
0xc9: {  	_ =	task.clear_ibuf [dreg:s9], $0x2FFFF;
	_ =	strace $0x9FFFFFFF  }
0xca: {  	(tm) =	ssettm $0x7FFFFFFF  }
0xcb: {  	_ =	shalt  }
tec
execute0_lowered:
.L_overlay_start_1:
0x0: {  	(tag) =	ssettag $0x1  }
0x1: {  	s1 =	rddreg [dreg:$0x0]  }
0x2: {  	s3 =	rddreg [dreg:$0x1]  }
0x3: {  	s6 =	rddreg [dreg:$0x2]  }
0x4: {  	s4 =	srdreg.scid;
	s0 =	rddreg [dreg:$0x3]  }
0x5: {  	s2 =	stileid.u32;
	s10 =	simm.s32 $0x8000;
	s11 =	simm.s32 $0x80  }
0x6: {  	s12 =	simm.s32 $0x4080;
	s13 =	simm.s32 $0x0;
	s5 =	sand.u32 $0x1, s4  }
.Ltmp0:
0x7: {  	s4 =	simm.s32 $0x0;
	s8 =	sshll.u32 s2, $0x1;
	(pc) =	sbr.rel .LBB2_1-.Ltmp0, $4  }
0x8: {  	s7 =	ssub.s32 $0x2, s5;
	[smem:$0x7FF] =	sst s4;
	s5 =	sor.u32 s5, s8  }
0x9: {  	s9 =	sshrl.u32 s7, $0x1;
	_ =	strace $0x80000047;
	s8 =	sshll.u32 s5, $0x6  }
0xa: {  	s5 =	sshll.u32 s5, $0xA;
	s7 =	ssub.s32 s7, s9;
	s6 =	sadd.s32 s6, s8  }
0xb: {  	s8 =	simm.s32 $0x3;
	s9 =	simm.s32 $0x400;
	s7 =	smax.u32 s7, $0x1  }
.LBB2_5:
0xc: {  	s13 =	sadd.s32 $0x1, s13  }
0xd: {  	p0 =	sne.s32 s13, s7  }
.Ltmp1:
0xe: {  	_ = 	snop;
	(pc) =	sbr.rel @!p0 .LBB2_6-.Ltmp1, $1  }
0xf: {  	_ =	sdelay $0x3  }
.LBB2_1:
.Ltmp2:
0x10: {  	(pc) =	sbr.rel .LBB2_2-.Ltmp2, $4  }
0x11: {  	[tilespmem:s4], [sflag:$0x3] =	stream.linear.gather [hbm4b:s1+s4], $0x10, $0x38;
	[tilespmem:$0x4100] =	vst v63  }
0x12: {  	_ =	swait.ge [sflag:s8], $0x10  }
0x13: {  	[sflag:s8] =	ssyncset.done $0x0  }
0x14: {  	s14 =	simm.s32 $0x0;
	[sflag:s8] =	ssyncadd.s32 $0xFFFFFFF0  }
.LBB2_3:
0x15: {  	v7 =	vimm.f32 $-Inf  }
0x16: {  	v6 =	vimm.f32 $-Inf;
	v4 =	vimm.f32 $-Inf;
	v1 =	vimm.f32 $-Inf  }
0x17: {  	v5 =	vimm.f32 $-Inf;
	v3 =	vimm.f32 $-Inf;
	v2 =	vimm.f32 $-Inf  }
.LBB2_4:
0x18: {  	[tilespmem:$0x4080] =	vst v7  }
0x19: {  	[tilespmem:$0x4090] =	vst v6  }
0x1a: {  	[tilespmem:$0x40A0] =	vst v4  }
0x1b: {  	[tilespmem:$0x40B0] =	vst v1  }
0x1c: {  	[tilespmem:$0x40C0] =	vst v5  }
0x1d: {  	[tilespmem:$0x40D0] =	vst v3;
	s15 =	sshll.u32 s14, $0x4;
	s14 =	sadd.s32 $0x1, s14  }
0x1e: {  	[tilespmem:$0x40E0] =	vst v2;
	p0 =	sne.s32 s14, $0x4  }
.Ltmp3:
0x1f: {  	[tilespmem:$0x40F0] =	vst v0;
	s15 =	sadd.s32 s15, s6;
	(pc) =	sbr.rel @!p0 .LBB2_5-.Ltmp3, $4  }
0x20: {  	[hbm4b:s15+s4] =	stream.linear.scatter [tilespmem:s12], [sflag:$0x3], $0x80, $0x38;
	[tilespmem:$0x4100] =	vst v63  }
0x21: {  	_ =	swait.ge [sflag:s8], $0x80  }
0x22: {  	[sflag:s8] =	ssyncset.done $0x0  }
0x23: {  	[sflag:s8] =	ssyncadd.s32 $0xFFFFFF80  }
.LBB2_2:
0x24: {  	s16 =	sor.u32 $0xC, s14  }
0x25: {  	v0 =	vld [tilespmem:s16+$0x0];
	_ =	sdelay $0x4  }
0x26: {  	(v2sf) =	vpush v0, $0x0;
	_ =	sdelay $0xe  }
0x27: {  	s15 =	spop (v2sf)  }
0x28: {  	p0 =	slt.s32 s15, $0x200  }
0x29: {  	p1 =	slt.s32 s15, $0xFFFFFFC2;
	s15 =	simm.s32 @!p0 $0x200  }
0x2a: {  	s17 =	sadd.s32 $0x3F, s15  }
0x2b: {  	s19 =	sand.u32 $0x3F, s17  }
0x2c: {  	s18 =	sshra.s32 s17, $0x1F;
	p6 =	sne.s32 s19, $0x0  }
0x2d: {  	s18 =	sshrl.u32 s18, $0x1A;
	p0 =	por !p1, !p6  }
0x2e: {  	s17 =	sadd.s32 s18, s17;
	s18 =	simm.s32 $0x1;
	p0 =	por !p0, !p0  }
0x2f: {  	s17 =	sshra.s32 s17, $0x6;
	s18 =	simm.s32 @!p0 $0x0  }
0x30: {  	s17 =	ssub.s32 s17, s18  }
0x31: {  	p0 =	sgt.s32 s17, $0x0  }
.Ltmp4:
0x32: {  	s16 =	sshll.u32 s16, $0x15;
	(pc) =	sbr.rel @!p0 .LBB2_3-.Ltmp4, $4  }
0x33: {  	s16 =	sor.u32 s5, s16  }
0x34: {  	s30 =	sshrl.u32 s16, $0x3  }
0x35: {  	s31 =	sadd.s32 s3, s30  }
0x36: {  	[tilespmem:s11], [sflag:$0x1] =	stream.strided.gather [hbm4b:s31+s9], $0x2000, s10, s9, $0x38;
	v0 =	vimm.f32 $-Inf;
	[tilespmem:$0x4100] =	vst v63  }
0x37: {  	s18 =	sadd.s32 $0xFFFFFFC7, s15  }
0x38: {  	s19 =	sand.u32 $0x7, s18  }
0x39: {  	s20 =	sshra.s32 s18, $0x1F;
	p0 =	slt.s32 s18, $0x1;
	p1 =	sne.s32 s19, $0x0  }
0x3a: {  	s31 =	sshrl.u32 s20, $0x1D;
	p0 =	por !p0, !p1  }
0x3b: {  	s19 =	simm.s32 $0x1;
	s18 =	sadd.s32 s31, s18;
	p0 =	por !p0, !p0  }
.Ltmp5:
0x3c: {  	s18 =	sshrl.u32 s18, $0x3;
	s19 =	simm.s32 @!p0 $0x0;
	(pc) =	sbr.rel .LBB2_9-.Ltmp5, $4  }
0x3d: {  	s18 =	ssub.s32 s18, s19  }
0x3e: {  	v2 =	vimm.f32 $-Inf;
	s18 =	sshll.u32 s18, $0x3  }
0x3f: {  	v3 =	vimm.f32 $-Inf;
	v5 =	vimm.f32 $-Inf;
	v1 =	vimm.f32 $-Inf;
	s20 =	simm.s32 $0x0;
	p0 =	sgt.s32 s18, $0x0  }
0x40: {  	v4 =	vimm.f32 $-Inf;
	v6 =	vimm.f32 $-Inf;
	v7 =	vimm.f32 $-Inf;
	s19 =	simm.s32 $0x0;
	s18 =	simm.s32 @!p0 $0x0;
	p0 =	por $0x0, $0x0  }
.LBB2_11:
0x41: {  	v13 =	vmovc v5;
	v14 =	vmov v3;
	v15 =	vmov v2;
	v16 =	vmov v7  }
.LBB2_15:
0x42: {  	v17 =	vld [tilespmem:s21+$0xFFFFFFD0]  }
0x43: {  	v18 =	vld [tilespmem:s21+$0xFFFFFFE0]  }
0x44: {  	v19 =	vld [tilespmem:s21+$0xFFFFFFF0]  }
0x45: {  	v20 =	vld [tilespmem:s21+$0x0]  }
0x46: {  	v21 =	vld [tilespmem:s21+$0x10]  }
0x47: {  	v22 =	vld [tilespmem:s21+$0x20]  }
0x48: {  	v9 =	vmax.f32 @p1 v13, v9;
	v63 =	vld [tilespmem:s21+$0xFFFFFFC0]  }
0x49: {  	v10 =	vmax.f32 @p1 v14, v10;
	v11 =	vmax.f32 @p1 v15, v11;
	v12 =	vmax.f32 @p1 v16, v12  }
0x4a: {  	v0 =	vmax.f32 v0, v8;
	v5 =	vpsel p1, v9, v5;
	v3 =	vpsel p1, v10, v3  }
0x4b: {  	v2 =	vpsel p1, v11, v2;
	v7 =	vpsel p1, v12, v7;
	v6 =	vmax.f32 v6, v17  }
0x4c: {  	v4 =	vmax.f32 v4, v18;
	v1 =	vmax.f32 v1, v19;
	v5 =	vmax.f32 v5, v20  }
0x4d: {  	v3 =	vmax.f32 v3, v21;
	v2 =	vmax.f32 v2, v22;
	v7 =	vmax.f32 v7, v63  }
.LBB2_8:
0x4e: {  	p1 =	seq.s32 s20, s17  }
.Ltmp6:
0x4f: {  	_ = 	snop;
	(pc) =	sbr.rel @p1 .LBB2_4-.Ltmp6, $2  }
0x50: {  	_ =	sdelay $0x2  }
0x51: {  	s19 =	sadd.s32 $0x40, s19;
	p0 =	por !p0, !p0  }
.LBB2_9:
0x52: {  	s21 =	smov.u32 s20;
	s20 =	sadd.s32 $0x1, s20  }
0x53: {  	p1 =	sge.s32 s20, s17  }
0x54: {  	s22 =	sshll.u32 @!p1 s20, $0x6  }
0x55: {  	p2 =	slt.s32 @!p1 s22, s18  }
0x56: {  	p2 =	por !p2, p1  }
0x57: {  	s22 =	smov.u32 @p2 s18  }
0x58: {  	s23 =	sand.u32 $0x1, s21;
	s21 =	sshll.u32 s21, $0x6;
	s22 =	sshll.u32 @!p1 s22, $0xC  }
0x59: {  	s24 =	sxor.u32 @!p1 $0x1, s23;
	s26 =	simm.s32 @!p1 $0x400;
	s22 =	sadd.s32 @!p1 s16, s22  }
0x5a: {  	s28 =	simm.s32 @!p1 $0x8000;
	s25 =	sshll.u32 @!p1 s24, $0xD;
	s22 =	sshrl.u32 @!p1 s22, $0x3  }
0x5b: {  	s24 =	sadd.s32 @!p1 $0x1, s24;
	s25 =	sor.u32 @!p1 $0x80, s25;
	s22 =	sadd.s32 @!p1 s3, s22  }
0x5c: {  	[tilespmem:s25], [sflag:s24] =	stream.strided.gather @!p1 [hbm4b:s22+s26], $0x2000, s28, s26, $0x38;
	[tilespmem:$0x4100] =	vst v63  }
0x5d: {  	p1 =	slt.s32 s21, s18;
	s22 =	smov.u32 s18  }
0x5e: {  	s22 =	smov.u32 @p1 s21  }
0x5f: {  	s21 =	ssub.s32 s15, s22  }
0x60: {  	p1 =	slt.s32 s21, $0x1  }
.Ltmp7:
0x61: {  	_ = 	snop;
	(pc) =	sbr.rel @p1 .LBB2_8-.Ltmp7, $4  }
0x62: {  	s23 =	sadd.s32 $0x1, s23  }
0x63: {  	_ =	swait.ge [sflag:s23], $0x2000  }
0x64: {  	[sflag:s23] =	ssyncset.done $0x0  }
0x65: {  	[sflag:s23] =	ssyncadd.s32 $0xFFFFE000  }
0x66: {  	p1 =	slt.s32 s18, s19;
	s21 =	smov.u32 s19  }
0x67: {  	s21 =	smov.u32 @p1 s18  }
0x68: {  	s21 =	ssub.s32 s15, s21  }
0x69: {  	p1 =	sgt.s32 s21, $0x1  }
0x6a: {  	s21 =	simm.s32 @!p1 $0x1  }
0x6b: {  	s23 =	smin.u32 s21, $0x40  }
0x6c: {  	p2 =	seq.s32 s23, $0x1  }
.Ltmp8:
0x6d: {  	s22 =	simm.s32 $0x1;
	(pc) =	sbr.rel @p2 .LBB2_11-.Ltmp8, $4  }
0x6e: {  	s22 =	simm.s32 @!p0 $0x0  }
0x6f: {  	s31 =	sshll.u32 s22, $0xD  }
0x70: {  	s21 =	sor.u32 $0xC0, s31  }
0x71: {  	p1 =	por $0x0, $0x0;
	v8 =	vld [tilespmem:s21+$0x30];
	s22 =	sadd.s32 $0xFFFFFFFF, s23  }
0x72: {  	v13 =	vld [tilespmem:s21+$0xFFFFFFD0]  }
0x73: {  	v14 =	vld [tilespmem:s21+$0xFFFFFFE0]  }
0x74: {  	v15 =	vld [tilespmem:s21+$0xFFFFFFF0];
	p2 =	seq.s32 s22, $0x1  }
.Ltmp9:
0x75: {  	v9 =	vld [tilespmem:s21+$0x0];
	(pc) =	sbr.rel @p2 .LBB2_13-.Ltmp9, $4  }
0x76: {  	v10 =	vld [tilespmem:s21+$0x10]  }
0x77: {  	v11 =	vld [tilespmem:s21+$0x20]  }
0x78: {  	v12 =	vld [tilespmem:s21+$0xFFFFFFC0];
	s21 =	sadd.s32 $0x80, s21;
	v16 =	vmov v7;
	v0 =	vmax.f32 v0, v8;
	v6 =	vmax.f32 v6, v13  }
0x79: {  	s22 =	sadd.s32 $0xFFFFFFFF, s22;
	p1 =	por $0x1, $0x1;
	v8 =	vld [tilespmem:s21+$0x30];
	v4 =	vmax.f32 v4, v14;
	v1 =	vmax.f32 v1, v15;
	v13 =	vmovc v5;
	v14 =	vmovc v3;
	v15 =	vmov v2  }
.LBB2_14:
0x7a: {  	p2 =	seq.s32 s22, $0x1;
	v17 =	vld [tilespmem:s21+$0xFFFFFFD0];
	v13 =	vmax.f32 v13, v9  }
0x7b: {  	v14 =	vmax.f32 v14, v10;
	v18 =	vld [tilespmem:s21+$0xFFFFFFE0]  }
0x7c: {  	v15 =	vmax.f32 v15, v11;
	v19 =	vld [tilespmem:s21+$0xFFFFFFF0]  }
.Ltmp10:
0x7d: {  	v16 =	vmax.f32 v16, v12;
	v9 =	vld [tilespmem:s21+$0x0];
	(pc) =	sbr.rel @!p2 .LBB2_14-.Ltmp10, $4  }
0x7e: {  	v0 =	vmax.f32 v0, v8;
	v10 =	vld [tilespmem:s21+$0x10]  }
0x7f: {  	v6 =	vmax.f32 v6, v17;
	v11 =	vld [tilespmem:s21+$0x20]  }
0x80: {  	v12 =	vld [tilespmem:s21+$0xFFFFFFC0];
	v4 =	vmax.f32 v4, v18;
	s21 =	sadd.s32 $0x80, s21  }
0x81: {  	s22 =	sadd.s32 $0xFFFFFFFF, s22;
	v8 =	vld [tilespmem:s21+$0x30];
	v1 =	vmax.f32 v1, v19  }
.Ltmp11:
0x82: {  	_ = 	snop;
	(pc) =	sbr.rel .LBB2_15-.Ltmp11, $1  }
0x83: {  	_ =	sdelay $0x3  }
.LBB2_13:
.Ltmp12:
0x84: {  	(pc) =	sbr.rel .LBB2_15-.Ltmp12, $2  }
0x85: {  	_ =	sdelay $0x2  }
0x86: {  	v13 =	vmovc v5;
	v14 =	vmov v3;
	v15 =	vmov v2;
	v16 =	vmov v7  }
.LBB2_6:
0x87: {  	_ =	sfence.sel $0x180000  }
0x88: {  	[bflag:$0x0] =	sbarrier.arrive $0xFFFF  }
0x89: {  	p0 =	sne.s32 s2, $0x0;
	_ =	strace $0x90000047  }
0x8a: {  	s0 =	sadd.s32 @!p0 $0x100000, s0;
	[bflag:$0x2] =	sbarrier.arrive $0xFFFF  }
0x8b: {  	[sflag:s0] =	ssyncadd.tile.s32 @!p0 $0x1;
	_ =	shalt  }
.Lfunc_end2:
_tile_overlayer_lowered:
.L_overlay_start_2:
0x8c: {  	(tag) =	ssettag $0x2  }
0x8d: {  	s0 =	rddreg [dreg:$0x0];
	s2 =	stileid.u32  }
0x8e: {  	s1 =	rddreg [dreg:$0x1];
	p0 =	sne.s32 s2, $0x0  }
0x8f: {  	s3 =	rddreg [dreg:$0x2];
	[bflag:$0x3] =	sbarrier.arrive $0xFFFF;
	s2 =	simm.s32 @!p0 $0x1C03  }
0x90: {  	[timem:s3], [sflag:s2] =	dma.local @!p0 [hbm:s0], s1  }
0x91: {  	s0 =	simm.s32 @!p0 $0x3  }
0x92: {  	_ =	swait.ge @!p0 [sflag:s0], s1  }
0x93: {  	s1 =	ssub.s32 @!p0 $0x0, s1;
	[sflag:s0] =	ssyncset.done @!p0 $0x0  }
0x94: {  	[sflag:s0] =	ssyncadd.s32 @!p0 s1  }
0x95: {  	[bflag:$0x3] =	sbarrier.arrive $0xFFFF  }
0x96: {  	_ =	shalt  }

</sc_bundles>
